<compile_context>
chip_gen: v7x
topology: tpu7x:2x2x1
jax: 0.10.2.dev20260603
libtpu: 0.0.44.dev20260713+nightly
codegen_flags: <defaults>
</compile_context>

<pallas_src>
import functools

import jax
import jax.numpy as jnp
from jax import lax
from jax.experimental import pallas as pl
from jax.experimental.pallas import tpu as pltpu
from jax.experimental.pallas import tpu_sc as plsc

B = 16
K_TOK = 32768
D_STATE = 256
D_TOKEN = 128

NC = 2
NS = 16
NW = NC * NS
KW = K_TOK // NW
CH = 256
NCHUNK = KW // CH


def _prep_body(starts_ref, state_ref, wq_ref, bq_ref, wk_ref, kqz_ref, bnd_ref):
    q = lax.dot_general(state_ref[...], wq_ref[...], (((1,), (1,)), ((), ())),
                        preferred_element_type=jnp.float32)
    q = q + bq_ref[...]
    kq = lax.dot_general(q, wk_ref[...], (((1,), (1,)), ((), ())),
                         preferred_element_type=jnp.float32)
    kqz_ref[...] = jnp.zeros((24, D_TOKEN), jnp.float32)
    kqz_ref[0:B, :] = kq
    lo = lax.broadcasted_iota(jnp.int32, (NW, 32), 0) * KW
    sj = jnp.zeros((NW, 32), jnp.int32)
    for j in range(B + 1):
        col = (lax.broadcasted_iota(jnp.int32, (NW, 32), 1) == j)
        sj = jnp.where(col, starts_ref[j], sj)
    bnd_ref[...] = jnp.clip(sj - lo, 0, KW)


def _sc_body(kq_hbm, bnd_hbm, cand_hbm, out_hbm,
             kq_v, buf0, buf1, buf2, bnd_v, out_v,
             sem0, sem1, sem2, sem3, sem4, sem5):
    cid = lax.axis_index("c")
    sid = lax.axis_index("s")
    wid = sid * NC + cid
    base_tok = pl.multiple_of(wid * KW, KW)

    pltpu.sync_copy(kq_hbm, kq_v)
    pltpu.sync_copy(bnd_hbm.at[wid], bnd_v)


    lane = lax.iota(jnp.int32, 16)
    last_lane = lane == 15
    zero16 = jnp.zeros((16,), jnp.float32)

    for z in range(KW // 16):
        out_v[pl.ds(z * 16, 16)] = zero16

    bufs = (buf0, buf1, buf2)
    sems = ((sem0, sem1), (sem2, sem3), (sem4, sem5))
    NB = 3
    H = CH // 2

    def start_chunk(c):
        off = pl.multiple_of(base_tok + c * CH, CH)
        b = bufs[c % NB]
        s0, s1 = sems[c % NB]
        d0 = pltpu.async_copy(cand_hbm.at[pl.ds(off, H)], b.at[pl.ds(0, H)], s0)
        d1 = pltpu.async_copy(cand_hbm.at[pl.ds(off + H, H)], b.at[pl.ds(H, H)], s1)
        return (d0, d1)

    desc = [None] * NB
    desc[0] = start_chunk(0)
    desc[1] = start_chunk(1)

    for c in range(NCHUNK):
        if c + 2 < NCHUNK:
            desc[(c + 2) % NB] = start_chunk(c + 2)
        desc[c % NB][0].wait()
        desc[c % NB][1].wait()
        buf = bufs[c % NB]

        def run_body(j, _, buf=buf, c=c):
            jv = jnp.zeros((16,), jnp.int32) + j
            a0 = plsc.load_gather(bnd_v, [jv])[0]
            a1 = plsc.load_gather(bnd_v, [jv + 1])[0]
            lo = jnp.maximum(a0, c * CH)
            hi = jnp.minimum(a1, (c + 1) * CH)
            hi = jnp.maximum(lo, hi)
            kqc = [kq_v[j, pl.ds(cc * 16, 16)] for cc in range(8)]

            def tok_body(t, buf=buf, c=c, kqc=kqc):
                r = t - c * CH
                acc0 = buf[r, pl.ds(0, 16)] * kqc[0]
                acc1 = buf[r, pl.ds(16, 16)] * kqc[1]
                acc2 = buf[r, pl.ds(32, 16)] * kqc[2]
                acc3 = buf[r, pl.ds(48, 16)] * kqc[3]
                acc0 = acc0 + buf[r, pl.ds(64, 16)] * kqc[4]
                acc1 = acc1 + buf[r, pl.ds(80, 16)] * kqc[5]
                acc2 = acc2 + buf[r, pl.ds(96, 16)] * kqc[6]
                acc3 = acc3 + buf[r, pl.ds(112, 16)] * kqc[7]
                acc = (acc0 + acc1) + (acc2 + acc3)
                s = jnp.cumsum(acc)
                idx = jnp.zeros((16,), jnp.int32) + t
                plsc.store_scatter(out_v, [idx], s, mask=last_lane)

            plsc.parallel_loop(lo, hi, 1, unroll=4)(tok_body)
            return 0

        lax.fori_loop(0, B, run_body, 0)

    pltpu.sync_copy(out_v, out_hbm.at[pl.ds(base_tok, KW)])


@jax.jit
def kernel(state_vec, cand_tokens, starts, Wq, bq, Wk):
    starts_i = starts.astype(jnp.int32)
    kqz, bnd = pl.pallas_call(
        _prep_body,
        out_shape=[
            jax.ShapeDtypeStruct((24, D_TOKEN), jnp.float32),
            jax.ShapeDtypeStruct((NW, 32), jnp.int32),
        ],
        in_specs=[
            pl.BlockSpec(memory_space=pltpu.SMEM),
            pl.BlockSpec(memory_space=pltpu.VMEM),
            pl.BlockSpec(memory_space=pltpu.VMEM),
            pl.BlockSpec(memory_space=pltpu.VMEM),
            pl.BlockSpec(memory_space=pltpu.VMEM),
        ],
        out_specs=[
            pl.BlockSpec(memory_space=pltpu.VMEM),
            pl.BlockSpec(memory_space=pltpu.VMEM),
        ],
    )(starts_i, state_vec, Wq, bq.reshape(1, D_TOKEN), Wk)

    mesh = plsc.VectorSubcoreMesh(core_axis_name="c", subcore_axis_name="s",
                                  num_cores=NC, num_subcores=NS)
    sc = pl.kernel(
        _sc_body,
        out_type=jax.ShapeDtypeStruct((K_TOK,), jnp.float32),
        mesh=mesh,
        compiler_params=pltpu.CompilerParams(needs_layout_passes=False),
        scratch_types=[
            pltpu.VMEM((24, D_TOKEN), jnp.float32),
            pltpu.VMEM((CH, D_TOKEN), jnp.float32),
            pltpu.VMEM((CH, D_TOKEN), jnp.float32),
            pltpu.VMEM((CH, D_TOKEN), jnp.float32),
            pltpu.VMEM((32,), jnp.int32),
            pltpu.VMEM((KW,), jnp.float32),
            pltpu.SemaphoreType.DMA,
            pltpu.SemaphoreType.DMA,
            pltpu.SemaphoreType.DMA,
            pltpu.SemaphoreType.DMA,
            pltpu.SemaphoreType.DMA,
            pltpu.SemaphoreType.DMA,
        ],
    )
    logits = sc(kqz, bnd, cand_tokens)
    return logits

# --- scband reference (transcript-rebuilt; emitter-appended) ---
"""Pipeline reference for scband-dot-product-scorer-7284264534433 (READ-ONLY COPY).

The authoritative reference and input builder live on the scoring server;
editing this copy changes nothing except your own understanding.
"""

import jax, jax.numpy as jnp
import numpy as np

B = 16
K_TOK = 32768
D_STATE = 256
D_TOKEN = 128

def setup_inputs(seed: int = 0) -> dict:
    key = jax.random.key(seed)
    k1, k2, k3, k4, k5, k6 = jax.random.split(key, 6)
    state_vec = jax.random.normal(k1, (B, D_STATE), dtype=jnp.float32)
    cand_tokens = jax.random.normal(k2, (K_TOK, D_TOKEN), dtype=jnp.float32)
    starts = jnp.sort(jax.random.randint(k3, (B + 1,), 0, K_TOK, dtype=jnp.int64) if jax.config.jax_enable_x64 else jax.random.randint(k3, (B + 1,), 0, K_TOK))
    Wq = jax.random.normal(k4, (D_TOKEN, D_STATE), dtype=jnp.float32) * (1.0 / np.sqrt(D_STATE))
    bq = jax.random.normal(k5, (D_TOKEN,), dtype=jnp.float32) * 0.01
    Wk = jax.random.normal(k6, (D_TOKEN, D_TOKEN), dtype=jnp.float32) * (1.0 / np.sqrt(D_TOKEN))
    return {"state_vec": state_vec, "cand_tokens": cand_tokens, "starts": starts, "Wq": Wq, "bq": bq, "Wk": Wk}

def reference(state_vec, cand_tokens, starts, Wq, bq, Wk):
    # q = self.q(state_vec): Linear(d_state -> d_token) with bias
    q = state_vec @ Wq.T + bq                      # [B, d_token]
    # self.k(q): Linear(d_token -> d_token), no bias
    kq = q @ Wk.T                                  # [B, d_token]
    K = cand_tokens.shape[0]
    nb = starts.shape[0] - 1
    idx = jnp.arange(K)
    # token i belongs to segment b where starts[b] <= i < starts[b+1]
    seg = jnp.searchsorted(starts, idx, side='right') - 1
    valid = (seg >= 0) & (seg < nb)
    segc = jnp.clip(seg, 0, nb - 1)
    gathered = jnp.take(kq, segc, axis=0)          # [K, d_token] gather
    logits = jnp.sum(cand_tokens * gathered, axis=-1)
    # tokens outside [starts[0], starts[nb]) keep their initialized zeros
    return jnp.where(valid, logits, jnp.zeros_like(logits))

if __name__ == "__main__":
    import jax
    _d = setup_inputs()
    print(jax.jit(kernel)(*tuple(_d.values())))

</pallas_src>

<mosaic_0001>
#map = affine_map<(d0, d1) -> (0, 0)>
#map1 = affine_map<(d0, d1) -> (0)>
module attributes {stable_mosaic.version = 14 : i64} {
  func.func @_sc_body(%arg0: i32, %arg1: i32, %arg2: memref<24x128xf32, #tpu.memory_space<hbm>>, %arg3: memref<32x32xi32, #tpu.memory_space<hbm>>, %arg4: memref<32768x128xf32, #tpu.memory_space<hbm>>, %arg5: memref<32768xf32, #tpu.memory_space<hbm>>, %arg6: memref<24x128xf32, #tpu.memory_space<vmem>>, %arg7: memref<256x128xf32, #tpu.memory_space<vmem>>, %arg8: memref<256x128xf32, #tpu.memory_space<vmem>>, %arg9: memref<256x128xf32, #tpu.memory_space<vmem>>, %arg10: memref<32xi32, #tpu.memory_space<vmem>>, %arg11: memref<1024xf32, #tpu.memory_space<vmem>>, %arg12: memref<!tpu.dma_semaphore, #tpu.memory_space<semaphore_mem>>, %arg13: memref<!tpu.dma_semaphore, #tpu.memory_space<semaphore_mem>>, %arg14: memref<!tpu.dma_semaphore, #tpu.memory_space<semaphore_mem>>, %arg15: memref<!tpu.dma_semaphore, #tpu.memory_space<semaphore_mem>>, %arg16: memref<!tpu.dma_semaphore, #tpu.memory_space<semaphore_mem>>, %arg17: memref<!tpu.dma_semaphore, #tpu.memory_space<semaphore_mem>>) attributes {dimension_semantics = [#tpu.dimension_semantics<core_parallel>, #tpu.dimension_semantics<subcore_parallel>], iteration_bounds = array<i64: 2, 16>, scalar_prefetch = 0 : i64, scratch_operands = 12 : i64, tpu.core_type = #tpu.core_type<sc_vector_subcore>, window_params = [{transform_indices = #map}, {transform_indices = #map}, {transform_indices = #map}, {transform_indices = #map1}]} {
    %mul3A = arith.constant 2 : i32
    %mul3A_0 = arith.muli %arg1, %mul3A : i32
    %add3A = arith.addi %mul3A_0, %arg0 : i32
    %mul3A_1 = arith.constant 1024 : i32
    %mul3A_2 = arith.muli %add3A, %mul3A_1 : i32
    %multiple_of3A = tpu.assume_multiple %mul3A_2, 1024 : i32
    "tpu.region"() ({
      %run_scoped3A = tpu.sem_alloc : memref<!tpu.dma_semaphore, #tpu.memory_space<semaphore_mem>>
      tpu.enqueue_dma source(%arg2 : memref<24x128xf32, #tpu.memory_space<hbm>>) target(%arg6 : memref<24x128xf32, #tpu.memory_space<vmem>>) target_semaphore(%run_scoped3A : memref<!tpu.dma_semaphore, #tpu.memory_space<semaphore_mem>>)
      tpu.wait_dma2 semaphore(%run_scoped3A : memref<!tpu.dma_semaphore, #tpu.memory_space<semaphore_mem>>) src(%arg2 : memref<24x128xf32, #tpu.memory_space<hbm>>) dst(%arg6 : memref<24x128xf32, #tpu.memory_space<vmem>>)
      tpu.yield
    }) : () -> ()
    "tpu.region"() ({
      %run_scoped3A = tpu.sem_alloc : memref<!tpu.dma_semaphore, #tpu.memory_space<semaphore_mem>>
      %dma_start3A_338 = arith.constant 0 : i32
      %dma_start3A_339 = tpu.memref_slice %arg3[%add3A, %dma_start3A_338] : memref<32x32xi32, #tpu.memory_space<hbm>> -> memref<1x32xi32, #tpu.memory_space<hbm>>
      %dma_start3A_340 = tpu.memref_squeeze %dma_start3A_339 : memref<1x32xi32, #tpu.memory_space<hbm>> -> memref<32xi32, #tpu.memory_space<hbm>>
      %dma_start3A_341 = arith.constant 0 : i32
      %dma_start3A_342 = tpu.memref_slice %arg3[%add3A, %dma_start3A_341] : memref<32x32xi32, #tpu.memory_space<hbm>> -> memref<1x32xi32, #tpu.memory_space<hbm>>
      %dma_start3A_343 = tpu.memref_squeeze %dma_start3A_342 : memref<1x32xi32, #tpu.memory_space<hbm>> -> memref<32xi32, #tpu.memory_space<hbm>>
      tpu.enqueue_dma source(%dma_start3A_343 : memref<32xi32, #tpu.memory_space<hbm>>) target(%arg10 : memref<32xi32, #tpu.memory_space<vmem>>) target_semaphore(%run_scoped3A : memref<!tpu.dma_semaphore, #tpu.memory_space<semaphore_mem>>)
      %dma_wait3A_344 = arith.constant 0 : i32
      %dma_wait3A_345 = tpu.memref_slice %arg3[%add3A, %dma_wait3A_344] : memref<32x32xi32, #tpu.memory_space<hbm>> -> memref<1x32xi32, #tpu.memory_space<hbm>>
      %dma_wait3A_346 = tpu.memref_squeeze %dma_wait3A_345 : memref<1x32xi32, #tpu.memory_space<hbm>> -> memref<32xi32, #tpu.memory_space<hbm>>
      %dma_wait3A_347 = arith.constant 0 : i32
      %dma_wait3A_348 = tpu.memref_slice %arg3[%add3A, %dma_wait3A_347] : memref<32x32xi32, #tpu.memory_space<hbm>> -> memref<1x32xi32, #tpu.memory_space<hbm>>
      %dma_wait3A_349 = tpu.memref_squeeze %dma_wait3A_348 : memref<1x32xi32, #tpu.memory_space<hbm>> -> memref<32xi32, #tpu.memory_space<hbm>>
      tpu.wait_dma2 semaphore(%run_scoped3A : memref<!tpu.dma_semaphore, #tpu.memory_space<semaphore_mem>>) src(%dma_wait3A_349 : memref<32xi32, #tpu.memory_space<hbm>>) dst(%arg10 : memref<32xi32, #tpu.memory_space<vmem>>)
      tpu.yield
    }) : () -> ()
    %iota3A = tpu.iota {dimensions = array<i32: 0>} : vector<16xi32>
    %eq3A = arith.constant 15 : i32
    %eq3A_3 = vector.broadcast %eq3A : i32 to vector<16xi32>
    %eq3A_4 = arith.cmpi eq, %iota3A, %eq3A_3 : vector<16xi32>
    %broadcast_in_dim3A = arith.constant 0.000000e+00 : f32
    %broadcast_in_dim3A_5 = vector.broadcast %broadcast_in_dim3A : f32 to vector<16xf32>
    %swap3A = arith.constant 0 : index
    %swap3A_6 = tpu.vector_load %arg11[%swap3A] {strides = array<i32>} : memref<1024xf32, #tpu.memory_space<vmem>>, vector<16xf32>,
    tpu.vector_store %arg11[%swap3A], %broadcast_in_dim3A_5 {strides = array<i32>} : memref<1024xf32, #tpu.memory_space<vmem>>, vector<16xf32>,
    %swap3A_7 = arith.constant 16 : index
    %swap3A_8 = tpu.vector_load %arg11[%swap3A_7] {strides = array<i32>} : memref<1024xf32, #tpu.memory_space<vmem>>, vector<16xf32>,
    tpu.vector_store %arg11[%swap3A_7], %broadcast_in_dim3A_5 {strides = array<i32>} : memref<1024xf32, #tpu.memory_space<vmem>>, vector<16xf32>,
    %swap3A_9 = arith.constant 32 : index
    %swap3A_10 = tpu.vector_load %arg11[%swap3A_9] {strides = array<i32>} : memref<1024xf32, #tpu.memory_space<vmem>>, vector<16xf32>,
    tpu.vector_store %arg11[%swap3A_9], %broadcast_in_dim3A_5 {strides = array<i32>} : memref<1024xf32, #tpu.memory_space<vmem>>, vector<16xf32>,
    %swap3A_11 = arith.constant 48 : index
    %swap3A_12 = tpu.vector_load %arg11[%swap3A_11] {strides = array<i32>} : memref<1024xf32, #tpu.memory_space<vmem>>, vector<16xf32>,
    tpu.vector_store %arg11[%swap3A_11], %broadcast_in_dim3A_5 {strides = array<i32>} : memref<1024xf32, #tpu.memory_space<vmem>>, vector<16xf32>,
    %swap3A_13 = arith.constant 64 : index
    %swap3A_14 = tpu.vector_load %arg11[%swap3A_13] {strides = array<i32>} : memref<1024xf32, #tpu.memory_space<vmem>>, vector<16xf32>,
    tpu.vector_store %arg11[%swap3A_13], %broadcast_in_dim3A_5 {strides = array<i32>} : memref<1024xf32, #tpu.memory_space<vmem>>, vector<16xf32>,
    %swap3A_15 = arith.constant 80 : index
    %swap3A_16 = tpu.vector_load %arg11[%swap3A_15] {strides = array<i32>} : memref<1024xf32, #tpu.memory_space<vmem>>, vector<16xf32>,
    tpu.vector_store %arg11[%swap3A_15], %broadcast_in_dim3A_5 {strides = array<i32>} : memref<1024xf32, #tpu.memory_space<vmem>>, vector<16xf32>,
    %swap3A_17 = arith.constant 96 : index
    %swap3A_18 = tpu.vector_load %arg11[%swap3A_17] {strides = array<i32>} : memref<1024xf32, #tpu.memory_space<vmem>>, vector<16xf32>,
    tpu.vector_store %arg11[%swap3A_17], %broadcast_in_dim3A_5 {strides = array<i32>} : memref<1024xf32, #tpu.memory_space<vmem>>, vector<16xf32>,
    %swap3A_19 = arith.constant 112 : index
    %swap3A_20 = tpu.vector_load %arg11[%swap3A_19] {strides = array<i32>} : memref<1024xf32, #tpu.memory_space<vmem>>, vector<16xf32>,
    tpu.vector_store %arg11[%swap3A_19], %broadcast_in_dim3A_5 {strides = array<i32>} : memref<1024xf32, #tpu.memory_space<vmem>>, vector<16xf32>,
    %swap3A_21 = arith.constant 128 : index
    %swap3A_22 = tpu.vector_load %arg11[%swap3A_21] {strides = array<i32>} : memref<1024xf32, #tpu.memory_space<vmem>>, vector<16xf32>,
    tpu.vector_store %arg11[%swap3A_21], %broadcast_in_dim3A_5 {strides = array<i32>} : memref<1024xf32, #tpu.memory_space<vmem>>, vector<16xf32>,
    %swap3A_23 = arith.constant 144 : index
    %swap3A_24 = tpu.vector_load %arg11[%swap3A_23] {strides = array<i32>} : memref<1024xf32, #tpu.memory_space<vmem>>, vector<16xf32>,
    tpu.vector_store %arg11[%swap3A_23], %broadcast_in_dim3A_5 {strides = array<i32>} : memref<1024xf32, #tpu.memory_space<vmem>>, vector<16xf32>,
    %swap3A_25 = arith.constant 160 : index
    %swap3A_26 = tpu.vector_load %arg11[%swap3A_25] {strides = array<i32>} : memref<1024xf32, #tpu.memory_space<vmem>>, vector<16xf32>,
    tpu.vector_store %arg11[%swap3A_25], %broadcast_in_dim3A_5 {strides = array<i32>} : memref<1024xf32, #tpu.memory_space<vmem>>, vector<16xf32>,
    %swap3A_27 = arith.constant 176 : index
    %swap3A_28 = tpu.vector_load %arg11[%swap3A_27] {strides = array<i32>} : memref<1024xf32, #tpu.memory_space<vmem>>, vector<16xf32>,
    tpu.vector_store %arg11[%swap3A_27], %broadcast_in_dim3A_5 {strides = array<i32>} : memref<1024xf32, #tpu.memory_space<vmem>>, vector<16xf32>,
    %swap3A_29 = arith.constant 192 : index
    %swap3A_30 = tpu.vector_load %arg11[%swap3A_29] {strides = array<i32>} : memref<1024xf32, #tpu.memory_space<vmem>>, vector<16xf32>,
    tpu.vector_store %arg11[%swap3A_29], %broadcast_in_dim3A_5 {strides = array<i32>} : memref<1024xf32, #tpu.memory_space<vmem>>, vector<16xf32>,
    %swap3A_31 = arith.constant 208 : index
    %swap3A_32 = tpu.vector_load %arg11[%swap3A_31] {strides = array<i32>} : memref<1024xf32, #tpu.memory_space<vmem>>, vector<16xf32>,
    tpu.vector_store %arg11[%swap3A_31], %broadcast_in_dim3A_5 {strides = array<i32>} : memref<1024xf32, #tpu.memory_space<vmem>>, vector<16xf32>,
    %swap3A_33 = arith.constant 224 : index
    %swap3A_34 = tpu.vector_load %arg11[%swap3A_33] {strides = array<i32>} : memref<1024xf32, #tpu.memory_space<vmem>>, vector<16xf32>,
    tpu.vector_store %arg11[%swap3A_33], %broadcast_in_dim3A_5 {strides = array<i32>} : memref<1024xf32, #tpu.memory_space<vmem>>, vector<16xf32>,
    %swap3A_35 = arith.constant 240 : index
    %swap3A_36 = tpu.vector_load %arg11[%swap3A_35] {strides = array<i32>} : memref<1024xf32, #tpu.memory_space<vmem>>, vector<16xf32>,
    tpu.vector_store %arg11[%swap3A_35], %broadcast_in_dim3A_5 {strides = array<i32>} : memref<1024xf32, #tpu.memory_space<vmem>>, vector<16xf32>,
    %swap3A_37 = arith.constant 256 : index
    %swap3A_38 = tpu.vector_load %arg11[%swap3A_37] {strides = array<i32>} : memref<1024xf32, #tpu.memory_space<vmem>>, vector<16xf32>,
    tpu.vector_store %arg11[%swap3A_37], %broadcast_in_dim3A_5 {strides = array<i32>} : memref<1024xf32, #tpu.memory_space<vmem>>, vector<16xf32>,
    %swap3A_39 = arith.constant 272 : index
    %swap3A_40 = tpu.vector_load %arg11[%swap3A_39] {strides = array<i32>} : memref<1024xf32, #tpu.memory_space<vmem>>, vector<16xf32>,
    tpu.vector_store %arg11[%swap3A_39], %broadcast_in_dim3A_5 {strides = array<i32>} : memref<1024xf32, #tpu.memory_space<vmem>>, vector<16xf32>,
    %swap3A_41 = arith.constant 288 : index
    %swap3A_42 = tpu.vector_load %arg11[%swap3A_41] {strides = array<i32>} : memref<1024xf32, #tpu.memory_space<vmem>>, vector<16xf32>,
    tpu.vector_store %arg11[%swap3A_41], %broadcast_in_dim3A_5 {strides = array<i32>} : memref<1024xf32, #tpu.memory_space<vmem>>, vector<16xf32>,
    %swap3A_43 = arith.constant 304 : index
    %swap3A_44 = tpu.vector_load %arg11[%swap3A_43] {strides = array<i32>} : memref<1024xf32, #tpu.memory_space<vmem>>, vector<16xf32>,
    tpu.vector_store %arg11[%swap3A_43], %broadcast_in_dim3A_5 {strides = array<i32>} : memref<1024xf32, #tpu.memory_space<vmem>>, vector<16xf32>,
    %swap3A_45 = arith.constant 320 : index
    %swap3A_46 = tpu.vector_load %arg11[%swap3A_45] {strides = array<i32>} : memref<1024xf32, #tpu.memory_space<vmem>>, vector<16xf32>,
    tpu.vector_store %arg11[%swap3A_45], %broadcast_in_dim3A_5 {strides = array<i32>} : memref<1024xf32, #tpu.memory_space<vmem>>, vector<16xf32>,
    %swap3A_47 = arith.constant 336 : index
    %swap3A_48 = tpu.vector_load %arg11[%swap3A_47] {strides = array<i32>} : memref<1024xf32, #tpu.memory_space<vmem>>, vector<16xf32>,
    tpu.vector_store %arg11[%swap3A_47], %broadcast_in_dim3A_5 {strides = array<i32>} : memref<1024xf32, #tpu.memory_space<vmem>>, vector<16xf32>,
    %swap3A_49 = arith.constant 352 : index
    %swap3A_50 = tpu.vector_load %arg11[%swap3A_49] {strides = array<i32>} : memref<1024xf32, #tpu.memory_space<vmem>>, vector<16xf32>,
    tpu.vector_store %arg11[%swap3A_49], %broadcast_in_dim3A_5 {strides = array<i32>} : memref<1024xf32, #tpu.memory_space<vmem>>, vector<16xf32>,
    %swap3A_51 = arith.constant 368 : index
    %swap3A_52 = tpu.vector_load %arg11[%swap3A_51] {strides = array<i32>} : memref<1024xf32, #tpu.memory_space<vmem>>, vector<16xf32>,
    tpu.vector_store %arg11[%swap3A_51], %broadcast_in_dim3A_5 {strides = array<i32>} : memref<1024xf32, #tpu.memory_space<vmem>>, vector<16xf32>,
    %swap3A_53 = arith.constant 384 : index
    %swap3A_54 = tpu.vector_load %arg11[%swap3A_53] {strides = array<i32>} : memref<1024xf32, #tpu.memory_space<vmem>>, vector<16xf32>,
    tpu.vector_store %arg11[%swap3A_53], %broadcast_in_dim3A_5 {strides = array<i32>} : memref<1024xf32, #tpu.memory_space<vmem>>, vector<16xf32>,
    %swap3A_55 = arith.constant 400 : index
    %swap3A_56 = tpu.vector_load %arg11[%swap3A_55] {strides = array<i32>} : memref<1024xf32, #tpu.memory_space<vmem>>, vector<16xf32>,
    tpu.vector_store %arg11[%swap3A_55], %broadcast_in_dim3A_5 {strides = array<i32>} : memref<1024xf32, #tpu.memory_space<vmem>>, vector<16xf32>,
    %swap3A_57 = arith.constant 416 : index
    %swap3A_58 = tpu.vector_load %arg11[%swap3A_57] {strides = array<i32>} : memref<1024xf32, #tpu.memory_space<vmem>>, vector<16xf32>,
    tpu.vector_store %arg11[%swap3A_57], %broadcast_in_dim3A_5 {strides = array<i32>} : memref<1024xf32, #tpu.memory_space<vmem>>, vector<16xf32>,
    %swap3A_59 = arith.constant 432 : index
    %swap3A_60 = tpu.vector_load %arg11[%swap3A_59] {strides = array<i32>} : memref<1024xf32, #tpu.memory_space<vmem>>, vector<16xf32>,
    tpu.vector_store %arg11[%swap3A_59], %broadcast_in_dim3A_5 {strides = array<i32>} : memref<1024xf32, #tpu.memory_space<vmem>>, vector<16xf32>,
    %swap3A_61 = arith.constant 448 : index
    %swap3A_62 = tpu.vector_load %arg11[%swap3A_61] {strides = array<i32>} : memref<1024xf32, #tpu.memory_space<vmem>>, vector<16xf32>,
    tpu.vector_store %arg11[%swap3A_61], %broadcast_in_dim3A_5 {strides = array<i32>} : memref<1024xf32, #tpu.memory_space<vmem>>, vector<16xf32>,
    %swap3A_63 = arith.constant 464 : index
    %swap3A_64 = tpu.vector_load %arg11[%swap3A_63] {strides = array<i32>} : memref<1024xf32, #tpu.memory_space<vmem>>, vector<16xf32>,
    tpu.vector_store %arg11[%swap3A_63], %broadcast_in_dim3A_5 {strides = array<i32>} : memref<1024xf32, #tpu.memory_space<vmem>>, vector<16xf32>,
    %swap3A_65 = arith.constant 480 : index
    %swap3A_66 = tpu.vector_load %arg11[%swap3A_65] {strides = array<i32>} : memref<1024xf32, #tpu.memory_space<vmem>>, vector<16xf32>,
    tpu.vector_store %arg11[%swap3A_65], %broadcast_in_dim3A_5 {strides = array<i32>} : memref<1024xf32, #tpu.memory_space<vmem>>, vector<16xf32>,
    %swap3A_67 = arith.constant 496 : index
    %swap3A_68 = tpu.vector_load %arg11[%swap3A_67] {strides = array<i32>} : memref<1024xf32, #tpu.memory_space<vmem>>, vector<16xf32>,
    tpu.vector_store %arg11[%swap3A_67], %broadcast_in_dim3A_5 {strides = array<i32>} : memref<1024xf32, #tpu.memory_space<vmem>>, vector<16xf32>,
    %swap3A_69 = arith.constant 512 : index
    %swap3A_70 = tpu.vector_load %arg11[%swap3A_69] {strides = array<i32>} : memref<1024xf32, #tpu.memory_space<vmem>>, vector<16xf32>,
    tpu.vector_store %arg11[%swap3A_69], %broadcast_in_dim3A_5 {strides = array<i32>} : memref<1024xf32, #tpu.memory_space<vmem>>, vector<16xf32>,
    %swap3A_71 = arith.constant 528 : index
    %swap3A_72 = tpu.vector_load %arg11[%swap3A_71] {strides = array<i32>} : memref<1024xf32, #tpu.memory_space<vmem>>, vector<16xf32>,
    tpu.vector_store %arg11[%swap3A_71], %broadcast_in_dim3A_5 {strides = array<i32>} : memref<1024xf32, #tpu.memory_space<vmem>>, vector<16xf32>,
    %swap3A_73 = arith.constant 544 : index
    %swap3A_74 = tpu.vector_load %arg11[%swap3A_73] {strides = array<i32>} : memref<1024xf32, #tpu.memory_space<vmem>>, vector<16xf32>,
    tpu.vector_store %arg11[%swap3A_73], %broadcast_in_dim3A_5 {strides = array<i32>} : memref<1024xf32, #tpu.memory_space<vmem>>, vector<16xf32>,
    %swap3A_75 = arith.constant 560 : index
    %swap3A_76 = tpu.vector_load %arg11[%swap3A_75] {strides = array<i32>} : memref<1024xf32, #tpu.memory_space<vmem>>, vector<16xf32>,
    tpu.vector_store %arg11[%swap3A_75], %broadcast_in_dim3A_5 {strides = array<i32>} : memref<1024xf32, #tpu.memory_space<vmem>>, vector<16xf32>,
    %swap3A_77 = arith.constant 576 : index
    %swap3A_78 = tpu.vector_load %arg11[%swap3A_77] {strides = array<i32>} : memref<1024xf32, #tpu.memory_space<vmem>>, vector<16xf32>,
    tpu.vector_store %arg11[%swap3A_77], %broadcast_in_dim3A_5 {strides = array<i32>} : memref<1024xf32, #tpu.memory_space<vmem>>, vector<16xf32>,
    %swap3A_79 = arith.constant 592 : index
    %swap3A_80 = tpu.vector_load %arg11[%swap3A_79] {strides = array<i32>} : memref<1024xf32, #tpu.memory_space<vmem>>, vector<16xf32>,
    tpu.vector_store %arg11[%swap3A_79], %broadcast_in_dim3A_5 {strides = array<i32>} : memref<1024xf32, #tpu.memory_space<vmem>>, vector<16xf32>,
    %swap3A_81 = arith.constant 608 : index
    %swap3A_82 = tpu.vector_load %arg11[%swap3A_81] {strides = array<i32>} : memref<1024xf32, #tpu.memory_space<vmem>>, vector<16xf32>,
    tpu.vector_store %arg11[%swap3A_81], %broadcast_in_dim3A_5 {strides = array<i32>} : memref<1024xf32, #tpu.memory_space<vmem>>, vector<16xf32>,
    %swap3A_83 = arith.constant 624 : index
    %swap3A_84 = tpu.vector_load %arg11[%swap3A_83] {strides = array<i32>} : memref<1024xf32, #tpu.memory_space<vmem>>, vector<16xf32>,
    tpu.vector_store %arg11[%swap3A_83], %broadcast_in_dim3A_5 {strides = array<i32>} : memref<1024xf32, #tpu.memory_space<vmem>>, vector<16xf32>,
    %swap3A_85 = arith.constant 640 : index
    %swap3A_86 = tpu.vector_load %arg11[%swap3A_85] {strides = array<i32>} : memref<1024xf32, #tpu.memory_space<vmem>>, vector<16xf32>,
    tpu.vector_store %arg11[%swap3A_85], %broadcast_in_dim3A_5 {strides = array<i32>} : memref<1024xf32, #tpu.memory_space<vmem>>, vector<16xf32>,
    %swap3A_87 = arith.constant 656 : index
    %swap3A_88 = tpu.vector_load %arg11[%swap3A_87] {strides = array<i32>} : memref<1024xf32, #tpu.memory_space<vmem>>, vector<16xf32>,
    tpu.vector_store %arg11[%swap3A_87], %broadcast_in_dim3A_5 {strides = array<i32>} : memref<1024xf32, #tpu.memory_space<vmem>>, vector<16xf32>,
    %swap3A_89 = arith.constant 672 : index
    %swap3A_90 = tpu.vector_load %arg11[%swap3A_89] {strides = array<i32>} : memref<1024xf32, #tpu.memory_space<vmem>>, vector<16xf32>,
    tpu.vector_store %arg11[%swap3A_89], %broadcast_in_dim3A_5 {strides = array<i32>} : memref<1024xf32, #tpu.memory_space<vmem>>, vector<16xf32>,
    %swap3A_91 = arith.constant 688 : index
    %swap3A_92 = tpu.vector_load %arg11[%swap3A_91] {strides = array<i32>} : memref<1024xf32, #tpu.memory_space<vmem>>, vector<16xf32>,
    tpu.vector_store %arg11[%swap3A_91], %broadcast_in_dim3A_5 {strides = array<i32>} : memref<1024xf32, #tpu.memory_space<vmem>>, vector<16xf32>,
    %swap3A_93 = arith.constant 704 : index
    %swap3A_94 = tpu.vector_load %arg11[%swap3A_93] {strides = array<i32>} : memref<1024xf32, #tpu.memory_space<vmem>>, vector<16xf32>,
    tpu.vector_store %arg11[%swap3A_93], %broadcast_in_dim3A_5 {strides = array<i32>} : memref<1024xf32, #tpu.memory_space<vmem>>, vector<16xf32>,
    %swap3A_95 = arith.constant 720 : index
    %swap3A_96 = tpu.vector_load %arg11[%swap3A_95] {strides = array<i32>} : memref<1024xf32, #tpu.memory_space<vmem>>, vector<16xf32>,
    tpu.vector_store %arg11[%swap3A_95], %broadcast_in_dim3A_5 {strides = array<i32>} : memref<1024xf32, #tpu.memory_space<vmem>>, vector<16xf32>,
    %swap3A_97 = arith.constant 736 : index
    %swap3A_98 = tpu.vector_load %arg11[%swap3A_97] {strides = array<i32>} : memref<1024xf32, #tpu.memory_space<vmem>>, vector<16xf32>,
    tpu.vector_store %arg11[%swap3A_97], %broadcast_in_dim3A_5 {strides = array<i32>} : memref<1024xf32, #tpu.memory_space<vmem>>, vector<16xf32>,
    %swap3A_99 = arith.constant 752 : index
    %swap3A_100 = tpu.vector_load %arg11[%swap3A_99] {strides = array<i32>} : memref<1024xf32, #tpu.memory_space<vmem>>, vector<16xf32>,
    tpu.vector_store %arg11[%swap3A_99], %broadcast_in_dim3A_5 {strides = array<i32>} : memref<1024xf32, #tpu.memory_space<vmem>>, vector<16xf32>,
    %swap3A_101 = arith.constant 768 : index
    %swap3A_102 = tpu.vector_load %arg11[%swap3A_101] {strides = array<i32>} : memref<1024xf32, #tpu.memory_space<vmem>>, vector<16xf32>,
    tpu.vector_store %arg11[%swap3A_101], %broadcast_in_dim3A_5 {strides = array<i32>} : memref<1024xf32, #tpu.memory_space<vmem>>, vector<16xf32>,
    %swap3A_103 = arith.constant 784 : index
    %swap3A_104 = tpu.vector_load %arg11[%swap3A_103] {strides = array<i32>} : memref<1024xf32, #tpu.memory_space<vmem>>, vector<16xf32>,
    tpu.vector_store %arg11[%swap3A_103], %broadcast_in_dim3A_5 {strides = array<i32>} : memref<1024xf32, #tpu.memory_space<vmem>>, vector<16xf32>,
    %swap3A_105 = arith.constant 800 : index
    %swap3A_106 = tpu.vector_load %arg11[%swap3A_105] {strides = array<i32>} : memref<1024xf32, #tpu.memory_space<vmem>>, vector<16xf32>,
    tpu.vector_store %arg11[%swap3A_105], %broadcast_in_dim3A_5 {strides = array<i32>} : memref<1024xf32, #tpu.memory_space<vmem>>, vector<16xf32>,
    %swap3A_107 = arith.constant 816 : index
    %swap3A_108 = tpu.vector_load %arg11[%swap3A_107] {strides = array<i32>} : memref<1024xf32, #tpu.memory_space<vmem>>, vector<16xf32>,
    tpu.vector_store %arg11[%swap3A_107], %broadcast_in_dim3A_5 {strides = array<i32>} : memref<1024xf32, #tpu.memory_space<vmem>>, vector<16xf32>,
    %swap3A_109 = arith.constant 832 : index
    %swap3A_110 = tpu.vector_load %arg11[%swap3A_109] {strides = array<i32>} : memref<1024xf32, #tpu.memory_space<vmem>>, vector<16xf32>,
    tpu.vector_store %arg11[%swap3A_109], %broadcast_in_dim3A_5 {strides = array<i32>} : memref<1024xf32, #tpu.memory_space<vmem>>, vector<16xf32>,
    %swap3A_111 = arith.constant 848 : index
    %swap3A_112 = tpu.vector_load %arg11[%swap3A_111] {strides = array<i32>} : memref<1024xf32, #tpu.memory_space<vmem>>, vector<16xf32>,
    tpu.vector_store %arg11[%swap3A_111], %broadcast_in_dim3A_5 {strides = array<i32>} : memref<1024xf32, #tpu.memory_space<vmem>>, vector<16xf32>,
    %swap3A_113 = arith.constant 864 : index
    %swap3A_114 = tpu.vector_load %arg11[%swap3A_113] {strides = array<i32>} : memref<1024xf32, #tpu.memory_space<vmem>>, vector<16xf32>,
    tpu.vector_store %arg11[%swap3A_113], %broadcast_in_dim3A_5 {strides = array<i32>} : memref<1024xf32, #tpu.memory_space<vmem>>, vector<16xf32>,
    %swap3A_115 = arith.constant 880 : index
    %swap3A_116 = tpu.vector_load %arg11[%swap3A_115] {strides = array<i32>} : memref<1024xf32, #tpu.memory_space<vmem>>, vector<16xf32>,
    tpu.vector_store %arg11[%swap3A_115], %broadcast_in_dim3A_5 {strides = array<i32>} : memref<1024xf32, #tpu.memory_space<vmem>>, vector<16xf32>,
    %swap3A_117 = arith.constant 896 : index
    %swap3A_118 = tpu.vector_load %arg11[%swap3A_117] {strides = array<i32>} : memref<1024xf32, #tpu.memory_space<vmem>>, vector<16xf32>,
    tpu.vector_store %arg11[%swap3A_117], %broadcast_in_dim3A_5 {strides = array<i32>} : memref<1024xf32, #tpu.memory_space<vmem>>, vector<16xf32>,
    %swap3A_119 = arith.constant 912 : index
    %swap3A_120 = tpu.vector_load %arg11[%swap3A_119] {strides = array<i32>} : memref<1024xf32, #tpu.memory_space<vmem>>, vector<16xf32>,
    tpu.vector_store %arg11[%swap3A_119], %broadcast_in_dim3A_5 {strides = array<i32>} : memref<1024xf32, #tpu.memory_space<vmem>>, vector<16xf32>,
    %swap3A_121 = arith.constant 928 : index
    %swap3A_122 = tpu.vector_load %arg11[%swap3A_121] {strides = array<i32>} : memref<1024xf32, #tpu.memory_space<vmem>>, vector<16xf32>,
    tpu.vector_store %arg11[%swap3A_121], %broadcast_in_dim3A_5 {strides = array<i32>} : memref<1024xf32, #tpu.memory_space<vmem>>, vector<16xf32>,
    %swap3A_123 = arith.constant 944 : index
    %swap3A_124 = tpu.vector_load %arg11[%swap3A_123] {strides = array<i32>} : memref<1024xf32, #tpu.memory_space<vmem>>, vector<16xf32>,
    tpu.vector_store %arg11[%swap3A_123], %broadcast_in_dim3A_5 {strides = array<i32>} : memref<1024xf32, #tpu.memory_space<vmem>>, vector<16xf32>,
    %swap3A_125 = arith.constant 960 : index
    %swap3A_126 = tpu.vector_load %arg11[%swap3A_125] {strides = array<i32>} : memref<1024xf32, #tpu.memory_space<vmem>>, vector<16xf32>,
    tpu.vector_store %arg11[%swap3A_125], %broadcast_in_dim3A_5 {strides = array<i32>} : memref<1024xf32, #tpu.memory_space<vmem>>, vector<16xf32>,
    %swap3A_127 = arith.constant 976 : index
    %swap3A_128 = tpu.vector_load %arg11[%swap3A_127] {strides = array<i32>} : memref<1024xf32, #tpu.memory_space<vmem>>, vector<16xf32>,
    tpu.vector_store %arg11[%swap3A_127], %broadcast_in_dim3A_5 {strides = array<i32>} : memref<1024xf32, #tpu.memory_space<vmem>>, vector<16xf32>,
    %swap3A_129 = arith.constant 992 : index
    %swap3A_130 = tpu.vector_load %arg11[%swap3A_129] {strides = array<i32>} : memref<1024xf32, #tpu.memory_space<vmem>>, vector<16xf32>,
    tpu.vector_store %arg11[%swap3A_129], %broadcast_in_dim3A_5 {strides = array<i32>} : memref<1024xf32, #tpu.memory_space<vmem>>, vector<16xf32>,
    %swap3A_131 = arith.constant 1008 : index
    %swap3A_132 = tpu.vector_load %arg11[%swap3A_131] {strides = array<i32>} : memref<1024xf32, #tpu.memory_space<vmem>>, vector<16xf32>,
    tpu.vector_store %arg11[%swap3A_131], %broadcast_in_dim3A_5 {strides = array<i32>} : memref<1024xf32, #tpu.memory_space<vmem>>, vector<16xf32>,
    %add3A_133 = arith.constant 0 : i32
    %add3A_134 = arith.addi %multiple_of3A, %add3A_133 : i32
    %multiple_of3A_135 = tpu.assume_multiple %add3A_134, 256 : i32
    %dma_start3A = arith.constant 0 : i32
    %dma_start3A_136 = arith.constant 0 : i32
    %dma_start3A_137 = tpu.memref_slice %arg7[%dma_start3A, %dma_start3A_136] : memref<256x128xf32, #tpu.memory_space<vmem>> -> memref<128x128xf32, #tpu.memory_space<vmem>>
    %dma_start3A_138 = arith.constant 0 : i32
    %dma_start3A_139 = tpu.memref_slice %arg4[%multiple_of3A_135, %dma_start3A_138] : memref<32768x128xf32, #tpu.memory_space<hbm>> -> memref<128x128xf32, #tpu.memory_space<hbm>>
    %dma_start3A_140 = arith.constant 0 : i32
    %dma_start3A_141 = arith.constant 0 : i32
    %dma_start3A_142 = tpu.memref_slice %arg7[%dma_start3A_140, %dma_start3A_141] : memref<256x128xf32, #tpu.memory_space<vmem>> -> memref<128x128xf32, #tpu.memory_space<vmem>>
    %dma_start3A_143 = arith.constant 0 : i32
    %dma_start3A_144 = tpu.memref_slice %arg4[%multiple_of3A_135, %dma_start3A_143] : memref<32768x128xf32, #tpu.memory_space<hbm>> -> memref<128x128xf32, #tpu.memory_space<hbm>>
    tpu.enqueue_dma source(%dma_start3A_144 : memref<128x128xf32, #tpu.memory_space<hbm>>) target(%dma_start3A_142 : memref<128x128xf32, #tpu.memory_space<vmem>>) target_semaphore(%arg12 : memref<!tpu.dma_semaphore, #tpu.memory_space<semaphore_mem>>)
    %add3A_145 = arith.constant 128 : i32
    %add3A_146 = arith.addi %multiple_of3A_135, %add3A_145 : i32
    %dma_start3A_147 = arith.constant 128 : i32
    %dma_start3A_148 = arith.constant 0 : i32
    %dma_start3A_149 = tpu.memref_slice %arg7[%dma_start3A_147, %dma_start3A_148] : memref<256x128xf32, #tpu.memory_space<vmem>> -> memref<128x128xf32, #tpu.memory_space<vmem>>
    %dma_start3A_150 = arith.constant 0 : i32
    %dma_start3A_151 = tpu.memref_slice %arg4[%add3A_146, %dma_start3A_150] : memref<32768x128xf32, #tpu.memory_space<hbm>> -> memref<128x128xf32, #tpu.memory_space<hbm>>
    %dma_start3A_152 = arith.constant 128 : i32
    %dma_start3A_153 = arith.constant 0 : i32
    %dma_start3A_154 = tpu.memref_slice %arg7[%dma_start3A_152, %dma_start3A_153] : memref<256x128xf32, #tpu.memory_space<vmem>> -> memref<128x128xf32, #tpu.memory_space<vmem>>
    %dma_start3A_155 = arith.constant 0 : i32
    %dma_start3A_156 = tpu.memref_slice %arg4[%add3A_146, %dma_start3A_155] : memref<32768x128xf32, #tpu.memory_space<hbm>> -> memref<128x128xf32, #tpu.memory_space<hbm>>
    tpu.enqueue_dma source(%dma_start3A_156 : memref<128x128xf32, #tpu.memory_space<hbm>>) target(%dma_start3A_154 : memref<128x128xf32, #tpu.memory_space<vmem>>) target_semaphore(%arg13 : memref<!tpu.dma_semaphore, #tpu.memory_space<semaphore_mem>>)
    %add3A_157 = arith.constant 256 : i32
    %add3A_158 = arith.addi %multiple_of3A, %add3A_157 : i32
    %multiple_of3A_159 = tpu.assume_multiple %add3A_158, 256 : i32
    %dma_start3A_160 = arith.constant 0 : i32
    %dma_start3A_161 = arith.constant 0 : i32
    %dma_start3A_162 = tpu.memref_slice %arg8[%dma_start3A_160, %dma_start3A_161] : memref<256x128xf32, #tpu.memory_space<vmem>> -> memref<128x128xf32, #tpu.memory_space<vmem>>
    %dma_start3A_163 = arith.constant 0 : i32
    %dma_start3A_164 = tpu.memref_slice %arg4[%multiple_of3A_159, %dma_start3A_163] : memref<32768x128xf32, #tpu.memory_space<hbm>> -> memref<128x128xf32, #tpu.memory_space<hbm>>
    %dma_start3A_165 = arith.constant 0 : i32
    %dma_start3A_166 = arith.constant 0 : i32
    %dma_start3A_167 = tpu.memref_slice %arg8[%dma_start3A_165, %dma_start3A_166] : memref<256x128xf32, #tpu.memory_space<vmem>> -> memref<128x128xf32, #tpu.memory_space<vmem>>
    %dma_start3A_168 = arith.constant 0 : i32
    %dma_start3A_169 = tpu.memref_slice %arg4[%multiple_of3A_159, %dma_start3A_168] : memref<32768x128xf32, #tpu.memory_space<hbm>> -> memref<128x128xf32, #tpu.memory_space<hbm>>
    tpu.enqueue_dma source(%dma_start3A_169 : memref<128x128xf32, #tpu.memory_space<hbm>>) target(%dma_start3A_167 : memref<128x128xf32, #tpu.memory_space<vmem>>) target_semaphore(%arg14 : memref<!tpu.dma_semaphore, #tpu.memory_space<semaphore_mem>>)
    %add3A_170 = arith.constant 128 : i32
    %add3A_171 = arith.addi %multiple_of3A_159, %add3A_170 : i32
    %dma_start3A_172 = arith.constant 128 : i32
    %dma_start3A_173 = arith.constant 0 : i32
    %dma_start3A_174 = tpu.memref_slice %arg8[%dma_start3A_172, %dma_start3A_173] : memref<256x128xf32, #tpu.memory_space<vmem>> -> memref<128x128xf32, #tpu.memory_space<vmem>>
    %dma_start3A_175 = arith.constant 0 : i32
    %dma_start3A_176 = tpu.memref_slice %arg4[%add3A_171, %dma_start3A_175] : memref<32768x128xf32, #tpu.memory_space<hbm>> -> memref<128x128xf32, #tpu.memory_space<hbm>>
    %dma_start3A_177 = arith.constant 128 : i32
    %dma_start3A_178 = arith.constant 0 : i32
    %dma_start3A_179 = tpu.memref_slice %arg8[%dma_start3A_177, %dma_start3A_178] : memref<256x128xf32, #tpu.memory_space<vmem>> -> memref<128x128xf32, #tpu.memory_space<vmem>>
    %dma_start3A_180 = arith.constant 0 : i32
    %dma_start3A_181 = tpu.memref_slice %arg4[%add3A_171, %dma_start3A_180] : memref<32768x128xf32, #tpu.memory_space<hbm>> -> memref<128x128xf32, #tpu.memory_space<hbm>>
    tpu.enqueue_dma source(%dma_start3A_181 : memref<128x128xf32, #tpu.memory_space<hbm>>) target(%dma_start3A_179 : memref<128x128xf32, #tpu.memory_space<vmem>>) target_semaphore(%arg15 : memref<!tpu.dma_semaphore, #tpu.memory_space<semaphore_mem>>)
    %add3A_182 = arith.constant 512 : i32
    %add3A_183 = arith.addi %multiple_of3A, %add3A_182 : i32
    %multiple_of3A_184 = tpu.assume_multiple %add3A_183, 256 : i32
    %dma_start3A_185 = arith.constant 0 : i32
    %dma_start3A_186 = arith.constant 0 : i32
    %dma_start3A_187 = tpu.memref_slice %arg9[%dma_start3A_185, %dma_start3A_186] : memref<256x128xf32, #tpu.memory_space<vmem>> -> memref<128x128xf32, #tpu.memory_space<vmem>>
    %dma_start3A_188 = arith.constant 0 : i32
    %dma_start3A_189 = tpu.memref_slice %arg4[%multiple_of3A_184, %dma_start3A_188] : memref<32768x128xf32, #tpu.memory_space<hbm>> -> memref<128x128xf32, #tpu.memory_space<hbm>>
    %dma_start3A_190 = arith.constant 0 : i32
    %dma_start3A_191 = arith.constant 0 : i32
    %dma_start3A_192 = tpu.memref_slice %arg9[%dma_start3A_190, %dma_start3A_191] : memref<256x128xf32, #tpu.memory_space<vmem>> -> memref<128x128xf32, #tpu.memory_space<vmem>>
    %dma_start3A_193 = arith.constant 0 : i32
    %dma_start3A_194 = tpu.memref_slice %arg4[%multiple_of3A_184, %dma_start3A_193] : memref<32768x128xf32, #tpu.memory_space<hbm>> -> memref<128x128xf32, #tpu.memory_space<hbm>>
    tpu.enqueue_dma source(%dma_start3A_194 : memref<128x128xf32, #tpu.memory_space<hbm>>) target(%dma_start3A_192 : memref<128x128xf32, #tpu.memory_space<vmem>>) target_semaphore(%arg16 : memref<!tpu.dma_semaphore, #tpu.memory_space<semaphore_mem>>)
    %add3A_195 = arith.constant 128 : i32
    %add3A_196 = arith.addi %multiple_of3A_184, %add3A_195 : i32
    %dma_start3A_197 = arith.constant 128 : i32
    %dma_start3A_198 = arith.constant 0 : i32
    %dma_start3A_199 = tpu.memref_slice %arg9[%dma_start3A_197, %dma_start3A_198] : memref<256x128xf32, #tpu.memory_space<vmem>> -> memref<128x128xf32, #tpu.memory_space<vmem>>
    %dma_start3A_200 = arith.constant 0 : i32
    %dma_start3A_201 = tpu.memref_slice %arg4[%add3A_196, %dma_start3A_200] : memref<32768x128xf32, #tpu.memory_space<hbm>> -> memref<128x128xf32, #tpu.memory_space<hbm>>
    %dma_start3A_202 = arith.constant 128 : i32
    %dma_start3A_203 = arith.constant 0 : i32
    %dma_start3A_204 = tpu.memref_slice %arg9[%dma_start3A_202, %dma_start3A_203] : memref<256x128xf32, #tpu.memory_space<vmem>> -> memref<128x128xf32, #tpu.memory_space<vmem>>
    %dma_start3A_205 = arith.constant 0 : i32
    %dma_start3A_206 = tpu.memref_slice %arg4[%add3A_196, %dma_start3A_205] : memref<32768x128xf32, #tpu.memory_space<hbm>> -> memref<128x128xf32, #tpu.memory_space<hbm>>
    tpu.enqueue_dma source(%dma_start3A_206 : memref<128x128xf32, #tpu.memory_space<hbm>>) target(%dma_start3A_204 : memref<128x128xf32, #tpu.memory_space<vmem>>) target_semaphore(%arg17 : memref<!tpu.dma_semaphore, #tpu.memory_space<semaphore_mem>>)
    %dma_wait3A = arith.constant 0 : i32
    %dma_wait3A_207 = arith.constant 0 : i32
    %dma_wait3A_208 = tpu.memref_slice %arg7[%dma_wait3A, %dma_wait3A_207] : memref<256x128xf32, #tpu.memory_space<vmem>> -> memref<128x128xf32, #tpu.memory_space<vmem>>
    %dma_wait3A_209 = arith.constant 0 : i32
    %dma_wait3A_210 = tpu.memref_slice %arg4[%multiple_of3A_135, %dma_wait3A_209] : memref<32768x128xf32, #tpu.memory_space<hbm>> -> memref<128x128xf32, #tpu.memory_space<hbm>>
    %dma_wait3A_211 = arith.constant 0 : i32
    %dma_wait3A_212 = arith.constant 0 : i32
    %dma_wait3A_213 = tpu.memref_slice %arg7[%dma_wait3A_211, %dma_wait3A_212] : memref<256x128xf32, #tpu.memory_space<vmem>> -> memref<128x128xf32, #tpu.memory_space<vmem>>
    %dma_wait3A_214 = arith.constant 0 : i32
    %dma_wait3A_215 = tpu.memref_slice %arg4[%multiple_of3A_135, %dma_wait3A_214] : memref<32768x128xf32, #tpu.memory_space<hbm>> -> memref<128x128xf32, #tpu.memory_space<hbm>>
    tpu.wait_dma2 semaphore(%arg12 : memref<!tpu.dma_semaphore, #tpu.memory_space<semaphore_mem>>) src(%dma_wait3A_215 : memref<128x128xf32, #tpu.memory_space<hbm>>) dst(%dma_wait3A_213 : memref<128x128xf32, #tpu.memory_space<vmem>>)
    %dma_wait3A_216 = arith.constant 128 : i32
    %dma_wait3A_217 = arith.constant 0 : i32
    %dma_wait3A_218 = tpu.memref_slice %arg7[%dma_wait3A_216, %dma_wait3A_217] : memref<256x128xf32, #tpu.memory_space<vmem>> -> memref<128x128xf32, #tpu.memory_space<vmem>>
    %dma_wait3A_219 = arith.constant 0 : i32
    %dma_wait3A_220 = tpu.memref_slice %arg4[%add3A_146, %dma_wait3A_219] : memref<32768x128xf32, #tpu.memory_space<hbm>> -> memref<128x128xf32, #tpu.memory_space<hbm>>
    %dma_wait3A_221 = arith.constant 128 : i32
    %dma_wait3A_222 = arith.constant 0 : i32
    %dma_wait3A_223 = tpu.memref_slice %arg7[%dma_wait3A_221, %dma_wait3A_222] : memref<256x128xf32, #tpu.memory_space<vmem>> -> memref<128x128xf32, #tpu.memory_space<vmem>>
    %dma_wait3A_224 = arith.constant 0 : i32
    %dma_wait3A_225 = tpu.memref_slice %arg4[%add3A_146, %dma_wait3A_224] : memref<32768x128xf32, #tpu.memory_space<hbm>> -> memref<128x128xf32, #tpu.memory_space<hbm>>
    tpu.wait_dma2 semaphore(%arg13 : memref<!tpu.dma_semaphore, #tpu.memory_space<semaphore_mem>>) src(%dma_wait3A_225 : memref<128x128xf32, #tpu.memory_space<hbm>>) dst(%dma_wait3A_223 : memref<128x128xf32, #tpu.memory_space<vmem>>)
    %scan3A = arith.constant 0 : i32
    %scan3A_226 = arith.constant 0 : i32
    %scan3A_227 = arith.constant 16 : i32
    %scan3A_228 = arith.addi %scan3A_226, %scan3A_227 : i32
    %scan3A_229 = arith.constant 1 : i32
    %scan3A_230 = scf.for %scan3A_338 = %scan3A_226 to %scan3A_228 step %scan3A_229 iter_args(%scan3A_339 = %scan3A) -> (i32)  : i32 {
      %broadcast_in_dim3A_340 = arith.constant 0 : i32
      %broadcast_in_dim3A_341 = vector.broadcast %broadcast_in_dim3A_340 : i32 to vector<16xi32>
      %add3A_342 = vector.broadcast %scan3A_338 : i32 to vector<16xi32>
      %add3A_343 = arith.addi %broadcast_in_dim3A_341, %add3A_342 : vector<16xi32>
      %gather3A = tpu.vector_load_idx %arg10[%add3A_343] : memref<32xi32, #tpu.memory_space<vmem>>[vector<16xi32>], vector<16xi32>,
      %slice3A = vector.extract_strided_slice %gather3A {offsets = [0], sizes = [1], strides = [1]} : vector<16xi32> to vector<1xi32>
      %squeeze3A = vector.extract %slice3A[0] : i32 from vector<1xi32>
      %add3A_344 = arith.constant 1 : i32
      %add3A_345 = vector.broadcast %add3A_344 : i32 to vector<16xi32>
      %add3A_346 = arith.addi %add3A_343, %add3A_345 : vector<16xi32>
      %gather3A_347 = tpu.vector_load_idx %arg10[%add3A_346] : memref<32xi32, #tpu.memory_space<vmem>>[vector<16xi32>], vector<16xi32>,
      %slice3A_348 = vector.extract_strided_slice %gather3A_347 {offsets = [0], sizes = [1], strides = [1]} : vector<16xi32> to vector<1xi32>
      %squeeze3A_349 = vector.extract %slice3A_348[0] : i32 from vector<1xi32>
      %max3A = arith.constant 0 : i32
      %max3A_350 = arith.maxsi %squeeze3A, %max3A : i32
      %min3A = arith.constant 256 : i32
      %min3A_351 = arith.minsi %squeeze3A_349, %min3A : i32
      %max3A_352 = arith.maxsi %max3A_350, %min3A_351 : i32
      %get3A = arith.index_cast %scan3A_338 : i32 to index
      %get3A_353 = arith.constant 0 : index
      %get3A_354 = tpu.vector_load %arg6[%get3A, %get3A_353] {strides = array<i32>} : memref<24x128xf32, #tpu.memory_space<vmem>>, vector<16xf32>,
      %get3A_355 = arith.index_cast %scan3A_338 : i32 to index
      %get3A_356 = arith.constant 16 : index
      %get3A_357 = tpu.vector_load %arg6[%get3A_355, %get3A_356] {strides = array<i32>} : memref<24x128xf32, #tpu.memory_space<vmem>>, vector<16xf32>,
      %get3A_358 = arith.index_cast %scan3A_338 : i32 to index
      %get3A_359 = arith.constant 32 : index
      %get3A_360 = tpu.vector_load %arg6[%get3A_358, %get3A_359] {strides = array<i32>} : memref<24x128xf32, #tpu.memory_space<vmem>>, vector<16xf32>,
      %get3A_361 = arith.index_cast %scan3A_338 : i32 to index
      %get3A_362 = arith.constant 48 : index
      %get3A_363 = tpu.vector_load %arg6[%get3A_361, %get3A_362] {strides = array<i32>} : memref<24x128xf32, #tpu.memory_space<vmem>>, vector<16xf32>,
      %get3A_364 = arith.index_cast %scan3A_338 : i32 to index
      %get3A_365 = arith.constant 64 : index
      %get3A_366 = tpu.vector_load %arg6[%get3A_364, %get3A_365] {strides = array<i32>} : memref<24x128xf32, #tpu.memory_space<vmem>>, vector<16xf32>,
      %get3A_367 = arith.index_cast %scan3A_338 : i32 to index
      %get3A_368 = arith.constant 80 : index
      %get3A_369 = tpu.vector_load %arg6[%get3A_367, %get3A_368] {strides = array<i32>} : memref<24x128xf32, #tpu.memory_space<vmem>>, vector<16xf32>,
      %get3A_370 = arith.index_cast %scan3A_338 : i32 to index
      %get3A_371 = arith.constant 96 : index
      %get3A_372 = tpu.vector_load %arg6[%get3A_370, %get3A_371] {strides = array<i32>} : memref<24x128xf32, #tpu.memory_space<vmem>>, vector<16xf32>,
      %get3A_373 = arith.index_cast %scan3A_338 : i32 to index
      %get3A_374 = arith.constant 112 : index
      %get3A_375 = tpu.vector_load %arg6[%get3A_373, %get3A_374] {strides = array<i32>} : memref<24x128xf32, #tpu.memory_space<vmem>>, vector<16xf32>,
      %parallel_loop3A = arith.constant 1 : i32
      scf.for %parallel_loop3A_377 = %max3A_350 to %max3A_352 step %parallel_loop3A  : i32 {
        %parallel_loop3A_378 = arith.constant 0 : i32
        %parallel_loop3A_379 = arith.subi %parallel_loop3A_377, %parallel_loop3A_378 : i32
        %parallel_loop3A_380 = arith.index_cast %parallel_loop3A_379 : i32 to index
        %parallel_loop3A_381 = arith.constant 0 : index
        %parallel_loop3A_382 = tpu.vector_load %arg7[%parallel_loop3A_380, %parallel_loop3A_381] {strides = array<i32>} : memref<256x128xf32, #tpu.memory_space<vmem>>, vector<16xf32>,
        %parallel_loop3A_383 = arith.mulf %parallel_loop3A_382, %get3A_354 : vector<16xf32>
        %parallel_loop3A_384 = arith.index_cast %parallel_loop3A_379 : i32 to index
        %parallel_loop3A_385 = arith.constant 16 : index
        %parallel_loop3A_386 = tpu.vector_load %arg7[%parallel_loop3A_384, %parallel_loop3A_385] {strides = array<i32>} : memref<256x128xf32, #tpu.memory_space<vmem>>, vector<16xf32>,
        %parallel_loop3A_387 = arith.mulf %parallel_loop3A_386, %get3A_357 : vector<16xf32>
        %parallel_loop3A_388 = arith.index_cast %parallel_loop3A_379 : i32 to index
        %parallel_loop3A_389 = arith.constant 32 : index
        %parallel_loop3A_390 = tpu.vector_load %arg7[%parallel_loop3A_388, %parallel_loop3A_389] {strides = array<i32>} : memref<256x128xf32, #tpu.memory_space<vmem>>, vector<16xf32>,
        %parallel_loop3A_391 = arith.mulf %parallel_loop3A_390, %get3A_360 : vector<16xf32>
        %parallel_loop3A_392 = arith.index_cast %parallel_loop3A_379 : i32 to index
        %parallel_loop3A_393 = arith.constant 48 : index
        %parallel_loop3A_394 = tpu.vector_load %arg7[%parallel_loop3A_392, %parallel_loop3A_393] {strides = array<i32>} : memref<256x128xf32, #tpu.memory_space<vmem>>, vector<16xf32>,
        %parallel_loop3A_395 = arith.mulf %parallel_loop3A_394, %get3A_363 : vector<16xf32>
        %parallel_loop3A_396 = arith.index_cast %parallel_loop3A_379 : i32 to index
        %parallel_loop3A_397 = arith.constant 64 : index
        %parallel_loop3A_398 = tpu.vector_load %arg7[%parallel_loop3A_396, %parallel_loop3A_397] {strides = array<i32>} : memref<256x128xf32, #tpu.memory_space<vmem>>, vector<16xf32>,
        %parallel_loop3A_399 = arith.mulf %parallel_loop3A_398, %get3A_366 : vector<16xf32>
        %parallel_loop3A_400 = arith.addf %parallel_loop3A_383, %parallel_loop3A_399 : vector<16xf32>
        %parallel_loop3A_401 = arith.index_cast %parallel_loop3A_379 : i32 to index
        %parallel_loop3A_402 = arith.constant 80 : index
        %parallel_loop3A_403 = tpu.vector_load %arg7[%parallel_loop3A_401, %parallel_loop3A_402] {strides = array<i32>} : memref<256x128xf32, #tpu.memory_space<vmem>>, vector<16xf32>,
        %parallel_loop3A_404 = arith.mulf %parallel_loop3A_403, %get3A_369 : vector<16xf32>
        %parallel_loop3A_405 = arith.addf %parallel_loop3A_387, %parallel_loop3A_404 : vector<16xf32>
        %parallel_loop3A_406 = arith.index_cast %parallel_loop3A_379 : i32 to index
        %parallel_loop3A_407 = arith.constant 96 : index
        %parallel_loop3A_408 = tpu.vector_load %arg7[%parallel_loop3A_406, %parallel_loop3A_407] {strides = array<i32>} : memref<256x128xf32, #tpu.memory_space<vmem>>, vector<16xf32>,
        %parallel_loop3A_409 = arith.mulf %parallel_loop3A_408, %get3A_372 : vector<16xf32>
        %parallel_loop3A_410 = arith.addf %parallel_loop3A_391, %parallel_loop3A_409 : vector<16xf32>
        %parallel_loop3A_411 = arith.index_cast %parallel_loop3A_379 : i32 to index
        %parallel_loop3A_412 = arith.constant 112 : index
        %parallel_loop3A_413 = tpu.vector_load %arg7[%parallel_loop3A_411, %parallel_loop3A_412] {strides = array<i32>} : memref<256x128xf32, #tpu.memory_space<vmem>>, vector<16xf32>,
        %parallel_loop3A_414 = arith.mulf %parallel_loop3A_413, %get3A_375 : vector<16xf32>
        %parallel_loop3A_415 = arith.addf %parallel_loop3A_395, %parallel_loop3A_414 : vector<16xf32>
        %parallel_loop3A_416 = arith.addf %parallel_loop3A_400, %parallel_loop3A_405 : vector<16xf32>
        %parallel_loop3A_417 = arith.addf %parallel_loop3A_410, %parallel_loop3A_415 : vector<16xf32>
        %parallel_loop3A_418 = arith.addf %parallel_loop3A_416, %parallel_loop3A_417 : vector<16xf32>
        %parallel_loop3A_419 = arith.constant true
        %parallel_loop3A_420 = vector.broadcast %parallel_loop3A_419 : i1 to vector<16xi1>
        %parallel_loop3A_421 = tpu.scan <sum>, %parallel_loop3A_418 masked %parallel_loop3A_420 : vector<16xf32>, vector<16xi1> -> vector<16xf32>
        %parallel_loop3A_422 = arith.constant 0 : i32
        %parallel_loop3A_423 = vector.broadcast %parallel_loop3A_422 : i32 to vector<16xi32>
        %parallel_loop3A_424 = vector.broadcast %parallel_loop3A_377 : i32 to vector<16xi32>
        %parallel_loop3A_425 = arith.addi %parallel_loop3A_423, %parallel_loop3A_424 : vector<16xi32>
        tpu.vector_store_idx %arg11[%parallel_loop3A_425], %parallel_loop3A_421 masked %eq3A_4 : memref<1024xf32, #tpu.memory_space<vmem>>[vector<16xi32>], vector<16xf32>, vector<16xi1>
      } {sc.loop_unroll_factor = 4 : i64, sc.parallel_access}
      %scan3A_376 = arith.constant 0 : i32
      scf.yield %scan3A_376 : i32
    }
    %scan3A_231 = arith.constant 16 : i32
    %add3A_232 = arith.constant 768 : i32
    %add3A_233 = arith.addi %multiple_of3A, %add3A_232 : i32
    %multiple_of3A_234 = tpu.assume_multiple %add3A_233, 256 : i32
    %dma_start3A_235 = arith.constant 0 : i32
    %dma_start3A_236 = arith.constant 0 : i32
    %dma_start3A_237 = tpu.memref_slice %arg7[%dma_start3A_235, %dma_start3A_236] : memref<256x128xf32, #tpu.memory_space<vmem>> -> memref<128x128xf32, #tpu.memory_space<vmem>>
    %dma_start3A_238 = arith.constant 0 : i32
    %dma_start3A_239 = tpu.memref_slice %arg4[%multiple_of3A_234, %dma_start3A_238] : memref<32768x128xf32, #tpu.memory_space<hbm>> -> memref<128x128xf32, #tpu.memory_space<hbm>>
    %dma_start3A_240 = arith.constant 0 : i32
    %dma_start3A_241 = arith.constant 0 : i32
    %dma_start3A_242 = tpu.memref_slice %arg7[%dma_start3A_240, %dma_start3A_241] : memref<256x128xf32, #tpu.memory_space<vmem>> -> memref<128x128xf32, #tpu.memory_space<vmem>>
    %dma_start3A_243 = arith.constant 0 : i32
    %dma_start3A_244 = tpu.memref_slice %arg4[%multiple_of3A_234, %dma_start3A_243] : memref<32768x128xf32, #tpu.memory_space<hbm>> -> memref<128x128xf32, #tpu.memory_space<hbm>>
    tpu.enqueue_dma source(%dma_start3A_244 : memref<128x128xf32, #tpu.memory_space<hbm>>) target(%dma_start3A_242 : memref<128x128xf32, #tpu.memory_space<vmem>>) target_semaphore(%arg12 : memref<!tpu.dma_semaphore, #tpu.memory_space<semaphore_mem>>)
    %add3A_245 = arith.constant 128 : i32
    %add3A_246 = arith.addi %multiple_of3A_234, %add3A_245 : i32
    %dma_start3A_247 = arith.constant 128 : i32
    %dma_start3A_248 = arith.constant 0 : i32
    %dma_start3A_249 = tpu.memref_slice %arg7[%dma_start3A_247, %dma_start3A_248] : memref<256x128xf32, #tpu.memory_space<vmem>> -> memref<128x128xf32, #tpu.memory_space<vmem>>
    %dma_start3A_250 = arith.constant 0 : i32
    %dma_start3A_251 = tpu.memref_slice %arg4[%add3A_246, %dma_start3A_250] : memref<32768x128xf32, #tpu.memory_space<hbm>> -> memref<128x128xf32, #tpu.memory_space<hbm>>
    %dma_start3A_252 = arith.constant 128 : i32
    %dma_start3A_253 = arith.constant 0 : i32
    %dma_start3A_254 = tpu.memref_slice %arg7[%dma_start3A_252, %dma_start3A_253] : memref<256x128xf32, #tpu.memory_space<vmem>> -> memref<128x128xf32, #tpu.memory_space<vmem>>
    %dma_start3A_255 = arith.constant 0 : i32
    %dma_start3A_256 = tpu.memref_slice %arg4[%add3A_246, %dma_start3A_255] : memref<32768x128xf32, #tpu.memory_space<hbm>> -> memref<128x128xf32, #tpu.memory_space<hbm>>
    tpu.enqueue_dma source(%dma_start3A_256 : memref<128x128xf32, #tpu.memory_space<hbm>>) target(%dma_start3A_254 : memref<128x128xf32, #tpu.memory_space<vmem>>) target_semaphore(%arg13 : memref<!tpu.dma_semaphore, #tpu.memory_space<semaphore_mem>>)
    %dma_wait3A_257 = arith.constant 0 : i32
    %dma_wait3A_258 = arith.constant 0 : i32
    %dma_wait3A_259 = tpu.memref_slice %arg8[%dma_wait3A_257, %dma_wait3A_258] : memref<256x128xf32, #tpu.memory_space<vmem>> -> memref<128x128xf32, #tpu.memory_space<vmem>>
    %dma_wait3A_260 = arith.constant 0 : i32
    %dma_wait3A_261 = tpu.memref_slice %arg4[%multiple_of3A_159, %dma_wait3A_260] : memref<32768x128xf32, #tpu.memory_space<hbm>> -> memref<128x128xf32, #tpu.memory_space<hbm>>
    %dma_wait3A_262 = arith.constant 0 : i32
    %dma_wait3A_263 = arith.constant 0 : i32
    %dma_wait3A_264 = tpu.memref_slice %arg8[%dma_wait3A_262, %dma_wait3A_263] : memref<256x128xf32, #tpu.memory_space<vmem>> -> memref<128x128xf32, #tpu.memory_space<vmem>>
    %dma_wait3A_265 = arith.constant 0 : i32
    %dma_wait3A_266 = tpu.memref_slice %arg4[%multiple_of3A_159, %dma_wait3A_265] : memref<32768x128xf32, #tpu.memory_space<hbm>> -> memref<128x128xf32, #tpu.memory_space<hbm>>
    tpu.wait_dma2 semaphore(%arg14 : memref<!tpu.dma_semaphore, #tpu.memory_space<semaphore_mem>>) src(%dma_wait3A_266 : memref<128x128xf32, #tpu.memory_space<hbm>>) dst(%dma_wait3A_264 : memref<128x128xf32, #tpu.memory_space<vmem>>)
    %dma_wait3A_267 = arith.constant 128 : i32
    %dma_wait3A_268 = arith.constant 0 : i32
    %dma_wait3A_269 = tpu.memref_slice %arg8[%dma_wait3A_267, %dma_wait3A_268] : memref<256x128xf32, #tpu.memory_space<vmem>> -> memref<128x128xf32, #tpu.memory_space<vmem>>
    %dma_wait3A_270 = arith.constant 0 : i32
    %dma_wait3A_271 = tpu.memref_slice %arg4[%add3A_171, %dma_wait3A_270] : memref<32768x128xf32, #tpu.memory_space<hbm>> -> memref<128x128xf32, #tpu.memory_space<hbm>>
    %dma_wait3A_272 = arith.constant 128 : i32
    %dma_wait3A_273 = arith.constant 0 : i32
    %dma_wait3A_274 = tpu.memref_slice %arg8[%dma_wait3A_272, %dma_wait3A_273] : memref<256x128xf32, #tpu.memory_space<vmem>> -> memref<128x128xf32, #tpu.memory_space<vmem>>
    %dma_wait3A_275 = arith.constant 0 : i32
    %dma_wait3A_276 = tpu.memref_slice %arg4[%add3A_171, %dma_wait3A_275] : memref<32768x128xf32, #tpu.memory_space<hbm>> -> memref<128x128xf32, #tpu.memory_space<hbm>>
    tpu.wait_dma2 semaphore(%arg15 : memref<!tpu.dma_semaphore, #tpu.memory_space<semaphore_mem>>) src(%dma_wait3A_276 : memref<128x128xf32, #tpu.memory_space<hbm>>) dst(%dma_wait3A_274 : memref<128x128xf32, #tpu.memory_space<vmem>>)
    %scan3A_277 = arith.constant 0 : i32
    %scan3A_278 = arith.constant 0 : i32
    %scan3A_279 = arith.constant 16 : i32
    %scan3A_280 = arith.addi %scan3A_278, %scan3A_279 : i32
    %scan3A_281 = arith.constant 1 : i32
    %scan3A_282 = scf.for %scan3A_338 = %scan3A_278 to %scan3A_280 step %scan3A_281 iter_args(%scan3A_339 = %scan3A_277) -> (i32)  : i32 {
      %broadcast_in_dim3A_340 = arith.constant 0 : i32
      %broadcast_in_dim3A_341 = vector.broadcast %broadcast_in_dim3A_340 : i32 to vector<16xi32>
      %add3A_342 = vector.broadcast %scan3A_338 : i32 to vector<16xi32>
      %add3A_343 = arith.addi %broadcast_in_dim3A_341, %add3A_342 : vector<16xi32>
      %gather3A = tpu.vector_load_idx %arg10[%add3A_343] : memref<32xi32, #tpu.memory_space<vmem>>[vector<16xi32>], vector<16xi32>,
      %slice3A = vector.extract_strided_slice %gather3A {offsets = [0], sizes = [1], strides = [1]} : vector<16xi32> to vector<1xi32>
      %squeeze3A = vector.extract %slice3A[0] : i32 from vector<1xi32>
      %add3A_344 = arith.constant 1 : i32
      %add3A_345 = vector.broadcast %add3A_344 : i32 to vector<16xi32>
      %add3A_346 = arith.addi %add3A_343, %add3A_345 : vector<16xi32>
      %gather3A_347 = tpu.vector_load_idx %arg10[%add3A_346] : memref<32xi32, #tpu.memory_space<vmem>>[vector<16xi32>], vector<16xi32>,
      %slice3A_348 = vector.extract_strided_slice %gather3A_347 {offsets = [0], sizes = [1], strides = [1]} : vector<16xi32> to vector<1xi32>
      %squeeze3A_349 = vector.extract %slice3A_348[0] : i32 from vector<1xi32>
      %max3A = arith.constant 256 : i32
      %max3A_350 = arith.maxsi %squeeze3A, %max3A : i32
      %min3A = arith.constant 512 : i32
      %min3A_351 = arith.minsi %squeeze3A_349, %min3A : i32
      %max3A_352 = arith.maxsi %max3A_350, %min3A_351 : i32
      %get3A = arith.index_cast %scan3A_338 : i32 to index
      %get3A_353 = arith.constant 0 : index
      %get3A_354 = tpu.vector_load %arg6[%get3A, %get3A_353] {strides = array<i32>} : memref<24x128xf32, #tpu.memory_space<vmem>>, vector<16xf32>,
      %get3A_355 = arith.index_cast %scan3A_338 : i32 to index
      %get3A_356 = arith.constant 16 : index
      %get3A_357 = tpu.vector_load %arg6[%get3A_355, %get3A_356] {strides = array<i32>} : memref<24x128xf32, #tpu.memory_space<vmem>>, vector<16xf32>,
      %get3A_358 = arith.index_cast %scan3A_338 : i32 to index
      %get3A_359 = arith.constant 32 : index
      %get3A_360 = tpu.vector_load %arg6[%get3A_358, %get3A_359] {strides = array<i32>} : memref<24x128xf32, #tpu.memory_space<vmem>>, vector<16xf32>,
      %get3A_361 = arith.index_cast %scan3A_338 : i32 to index
      %get3A_362 = arith.constant 48 : index
      %get3A_363 = tpu.vector_load %arg6[%get3A_361, %get3A_362] {strides = array<i32>} : memref<24x128xf32, #tpu.memory_space<vmem>>, vector<16xf32>,
      %get3A_364 = arith.index_cast %scan3A_338 : i32 to index
      %get3A_365 = arith.constant 64 : index
      %get3A_366 = tpu.vector_load %arg6[%get3A_364, %get3A_365] {strides = array<i32>} : memref<24x128xf32, #tpu.memory_space<vmem>>, vector<16xf32>,
      %get3A_367 = arith.index_cast %scan3A_338 : i32 to index
      %get3A_368 = arith.constant 80 : index
      %get3A_369 = tpu.vector_load %arg6[%get3A_367, %get3A_368] {strides = array<i32>} : memref<24x128xf32, #tpu.memory_space<vmem>>, vector<16xf32>,
      %get3A_370 = arith.index_cast %scan3A_338 : i32 to index
      %get3A_371 = arith.constant 96 : index
      %get3A_372 = tpu.vector_load %arg6[%get3A_370, %get3A_371] {strides = array<i32>} : memref<24x128xf32, #tpu.memory_space<vmem>>, vector<16xf32>,
      %get3A_373 = arith.index_cast %scan3A_338 : i32 to index
      %get3A_374 = arith.constant 112 : index
      %get3A_375 = tpu.vector_load %arg6[%get3A_373, %get3A_374] {strides = array<i32>} : memref<24x128xf32, #tpu.memory_space<vmem>>, vector<16xf32>,
      %parallel_loop3A = arith.constant 1 : i32
      scf.for %parallel_loop3A_377 = %max3A_350 to %max3A_352 step %parallel_loop3A  : i32 {
        %parallel_loop3A_378 = arith.constant 256 : i32
        %parallel_loop3A_379 = arith.subi %parallel_loop3A_377, %parallel_loop3A_378 : i32
        %parallel_loop3A_380 = arith.index_cast %parallel_loop3A_379 : i32 to index
        %parallel_loop3A_381 = arith.constant 0 : index
        %parallel_loop3A_382 = tpu.vector_load %arg8[%parallel_loop3A_380, %parallel_loop3A_381] {strides = array<i32>} : memref<256x128xf32, #tpu.memory_space<vmem>>, vector<16xf32>,
        %parallel_loop3A_383 = arith.mulf %parallel_loop3A_382, %get3A_354 : vector<16xf32>
        %parallel_loop3A_384 = arith.index_cast %parallel_loop3A_379 : i32 to index
        %parallel_loop3A_385 = arith.constant 16 : index
        %parallel_loop3A_386 = tpu.vector_load %arg8[%parallel_loop3A_384, %parallel_loop3A_385] {strides = array<i32>} : memref<256x128xf32, #tpu.memory_space<vmem>>, vector<16xf32>,
        %parallel_loop3A_387 = arith.mulf %parallel_loop3A_386, %get3A_357 : vector<16xf32>
        %parallel_loop3A_388 = arith.index_cast %parallel_loop3A_379 : i32 to index
        %parallel_loop3A_389 = arith.constant 32 : index
        %parallel_loop3A_390 = tpu.vector_load %arg8[%parallel_loop3A_388, %parallel_loop3A_389] {strides = array<i32>} : memref<256x128xf32, #tpu.memory_space<vmem>>, vector<16xf32>,
        %parallel_loop3A_391 = arith.mulf %parallel_loop3A_390, %get3A_360 : vector<16xf32>
        %parallel_loop3A_392 = arith.index_cast %parallel_loop3A_379 : i32 to index
        %parallel_loop3A_393 = arith.constant 48 : index
        %parallel_loop3A_394 = tpu.vector_load %arg8[%parallel_loop3A_392, %parallel_loop3A_393] {strides = array<i32>} : memref<256x128xf32, #tpu.memory_space<vmem>>, vector<16xf32>,
        %parallel_loop3A_395 = arith.mulf %parallel_loop3A_394, %get3A_363 : vector<16xf32>
        %parallel_loop3A_396 = arith.index_cast %parallel_loop3A_379 : i32 to index
        %parallel_loop3A_397 = arith.constant 64 : index
        %parallel_loop3A_398 = tpu.vector_load %arg8[%parallel_loop3A_396, %parallel_loop3A_397] {strides = array<i32>} : memref<256x128xf32, #tpu.memory_space<vmem>>, vector<16xf32>,
        %parallel_loop3A_399 = arith.mulf %parallel_loop3A_398, %get3A_366 : vector<16xf32>
        %parallel_loop3A_400 = arith.addf %parallel_loop3A_383, %parallel_loop3A_399 : vector<16xf32>
        %parallel_loop3A_401 = arith.index_cast %parallel_loop3A_379 : i32 to index
        %parallel_loop3A_402 = arith.constant 80 : index
        %parallel_loop3A_403 = tpu.vector_load %arg8[%parallel_loop3A_401, %parallel_loop3A_402] {strides = array<i32>} : memref<256x128xf32, #tpu.memory_space<vmem>>, vector<16xf32>,
        %parallel_loop3A_404 = arith.mulf %parallel_loop3A_403, %get3A_369 : vector<16xf32>
        %parallel_loop3A_405 = arith.addf %parallel_loop3A_387, %parallel_loop3A_404 : vector<16xf32>
        %parallel_loop3A_406 = arith.index_cast %parallel_loop3A_379 : i32 to index
        %parallel_loop3A_407 = arith.constant 96 : index
        %parallel_loop3A_408 = tpu.vector_load %arg8[%parallel_loop3A_406, %parallel_loop3A_407] {strides = array<i32>} : memref<256x128xf32, #tpu.memory_space<vmem>>, vector<16xf32>,
        %parallel_loop3A_409 = arith.mulf %parallel_loop3A_408, %get3A_372 : vector<16xf32>
        %parallel_loop3A_410 = arith.addf %parallel_loop3A_391, %parallel_loop3A_409 : vector<16xf32>
        %parallel_loop3A_411 = arith.index_cast %parallel_loop3A_379 : i32 to index
        %parallel_loop3A_412 = arith.constant 112 : index
        %parallel_loop3A_413 = tpu.vector_load %arg8[%parallel_loop3A_411, %parallel_loop3A_412] {strides = array<i32>} : memref<256x128xf32, #tpu.memory_space<vmem>>, vector<16xf32>,
        %parallel_loop3A_414 = arith.mulf %parallel_loop3A_413, %get3A_375 : vector<16xf32>
        %parallel_loop3A_415 = arith.addf %parallel_loop3A_395, %parallel_loop3A_414 : vector<16xf32>
        %parallel_loop3A_416 = arith.addf %parallel_loop3A_400, %parallel_loop3A_405 : vector<16xf32>
        %parallel_loop3A_417 = arith.addf %parallel_loop3A_410, %parallel_loop3A_415 : vector<16xf32>
        %parallel_loop3A_418 = arith.addf %parallel_loop3A_416, %parallel_loop3A_417 : vector<16xf32>
        %parallel_loop3A_419 = arith.constant true
        %parallel_loop3A_420 = vector.broadcast %parallel_loop3A_419 : i1 to vector<16xi1>
        %parallel_loop3A_421 = tpu.scan <sum>, %parallel_loop3A_418 masked %parallel_loop3A_420 : vector<16xf32>, vector<16xi1> -> vector<16xf32>
        %parallel_loop3A_422 = arith.constant 0 : i32
        %parallel_loop3A_423 = vector.broadcast %parallel_loop3A_422 : i32 to vector<16xi32>
        %parallel_loop3A_424 = vector.broadcast %parallel_loop3A_377 : i32 to vector<16xi32>
        %parallel_loop3A_425 = arith.addi %parallel_loop3A_423, %parallel_loop3A_424 : vector<16xi32>
        tpu.vector_store_idx %arg11[%parallel_loop3A_425], %parallel_loop3A_421 masked %eq3A_4 : memref<1024xf32, #tpu.memory_space<vmem>>[vector<16xi32>], vector<16xf32>, vector<16xi1>
      } {sc.loop_unroll_factor = 4 : i64, sc.parallel_access}
      %scan3A_376 = arith.constant 0 : i32
      scf.yield %scan3A_376 : i32
    }
    %scan3A_283 = arith.constant 16 : i32
    %dma_wait3A_284 = arith.constant 0 : i32
    %dma_wait3A_285 = arith.constant 0 : i32
    %dma_wait3A_286 = tpu.memref_slice %arg9[%dma_wait3A_284, %dma_wait3A_285] : memref<256x128xf32, #tpu.memory_space<vmem>> -> memref<128x128xf32, #tpu.memory_space<vmem>>
    %dma_wait3A_287 = arith.constant 0 : i32
    %dma_wait3A_288 = tpu.memref_slice %arg4[%multiple_of3A_184, %dma_wait3A_287] : memref<32768x128xf32, #tpu.memory_space<hbm>> -> memref<128x128xf32, #tpu.memory_space<hbm>>
    %dma_wait3A_289 = arith.constant 0 : i32
    %dma_wait3A_290 = arith.constant 0 : i32
    %dma_wait3A_291 = tpu.memref_slice %arg9[%dma_wait3A_289, %dma_wait3A_290] : memref<256x128xf32, #tpu.memory_space<vmem>> -> memref<128x128xf32, #tpu.memory_space<vmem>>
    %dma_wait3A_292 = arith.constant 0 : i32
    %dma_wait3A_293 = tpu.memref_slice %arg4[%multiple_of3A_184, %dma_wait3A_292] : memref<32768x128xf32, #tpu.memory_space<hbm>> -> memref<128x128xf32, #tpu.memory_space<hbm>>
    tpu.wait_dma2 semaphore(%arg16 : memref<!tpu.dma_semaphore, #tpu.memory_space<semaphore_mem>>) src(%dma_wait3A_293 : memref<128x128xf32, #tpu.memory_space<hbm>>) dst(%dma_wait3A_291 : memref<128x128xf32, #tpu.memory_space<vmem>>)
    %dma_wait3A_294 = arith.constant 128 : i32
    %dma_wait3A_295 = arith.constant 0 : i32
    %dma_wait3A_296 = tpu.memref_slice %arg9[%dma_wait3A_294, %dma_wait3A_295] : memref<256x128xf32, #tpu.memory_space<vmem>> -> memref<128x128xf32, #tpu.memory_space<vmem>>
    %dma_wait3A_297 = arith.constant 0 : i32
    %dma_wait3A_298 = tpu.memref_slice %arg4[%add3A_196, %dma_wait3A_297] : memref<32768x128xf32, #tpu.memory_space<hbm>> -> memref<128x128xf32, #tpu.memory_space<hbm>>
    %dma_wait3A_299 = arith.constant 128 : i32
    %dma_wait3A_300 = arith.constant 0 : i32
    %dma_wait3A_301 = tpu.memref_slice %arg9[%dma_wait3A_299, %dma_wait3A_300] : memref<256x128xf32, #tpu.memory_space<vmem>> -> memref<128x128xf32, #tpu.memory_space<vmem>>
    %dma_wait3A_302 = arith.constant 0 : i32
    %dma_wait3A_303 = tpu.memref_slice %arg4[%add3A_196, %dma_wait3A_302] : memref<32768x128xf32, #tpu.memory_space<hbm>> -> memref<128x128xf32, #tpu.memory_space<hbm>>
    tpu.wait_dma2 semaphore(%arg17 : memref<!tpu.dma_semaphore, #tpu.memory_space<semaphore_mem>>) src(%dma_wait3A_303 : memref<128x128xf32, #tpu.memory_space<hbm>>) dst(%dma_wait3A_301 : memref<128x128xf32, #tpu.memory_space<vmem>>)
    %scan3A_304 = arith.constant 0 : i32
    %scan3A_305 = arith.constant 0 : i32
    %scan3A_306 = arith.constant 16 : i32
    %scan3A_307 = arith.addi %scan3A_305, %scan3A_306 : i32
    %scan3A_308 = arith.constant 1 : i32
    %scan3A_309 = scf.for %scan3A_338 = %scan3A_305 to %scan3A_307 step %scan3A_308 iter_args(%scan3A_339 = %scan3A_304) -> (i32)  : i32 {
      %broadcast_in_dim3A_340 = arith.constant 0 : i32
      %broadcast_in_dim3A_341 = vector.broadcast %broadcast_in_dim3A_340 : i32 to vector<16xi32>
      %add3A_342 = vector.broadcast %scan3A_338 : i32 to vector<16xi32>
      %add3A_343 = arith.addi %broadcast_in_dim3A_341, %add3A_342 : vector<16xi32>
      %gather3A = tpu.vector_load_idx %arg10[%add3A_343] : memref<32xi32, #tpu.memory_space<vmem>>[vector<16xi32>], vector<16xi32>,
      %slice3A = vector.extract_strided_slice %gather3A {offsets = [0], sizes = [1], strides = [1]} : vector<16xi32> to vector<1xi32>
      %squeeze3A = vector.extract %slice3A[0] : i32 from vector<1xi32>
      %add3A_344 = arith.constant 1 : i32
      %add3A_345 = vector.broadcast %add3A_344 : i32 to vector<16xi32>
      %add3A_346 = arith.addi %add3A_343, %add3A_345 : vector<16xi32>
      %gather3A_347 = tpu.vector_load_idx %arg10[%add3A_346] : memref<32xi32, #tpu.memory_space<vmem>>[vector<16xi32>], vector<16xi32>,
      %slice3A_348 = vector.extract_strided_slice %gather3A_347 {offsets = [0], sizes = [1], strides = [1]} : vector<16xi32> to vector<1xi32>
      %squeeze3A_349 = vector.extract %slice3A_348[0] : i32 from vector<1xi32>
      %max3A = arith.constant 512 : i32
      %max3A_350 = arith.maxsi %squeeze3A, %max3A : i32
      %min3A = arith.constant 768 : i32
      %min3A_351 = arith.minsi %squeeze3A_349, %min3A : i32
      %max3A_352 = arith.maxsi %max3A_350, %min3A_351 : i32
      %get3A = arith.index_cast %scan3A_338 : i32 to index
      %get3A_353 = arith.constant 0 : index
      %get3A_354 = tpu.vector_load %arg6[%get3A, %get3A_353] {strides = array<i32>} : memref<24x128xf32, #tpu.memory_space<vmem>>, vector<16xf32>,
      %get3A_355 = arith.index_cast %scan3A_338 : i32 to index
      %get3A_356 = arith.constant 16 : index
      %get3A_357 = tpu.vector_load %arg6[%get3A_355, %get3A_356] {strides = array<i32>} : memref<24x128xf32, #tpu.memory_space<vmem>>, vector<16xf32>,
      %get3A_358 = arith.index_cast %scan3A_338 : i32 to index
      %get3A_359 = arith.constant 32 : index
      %get3A_360 = tpu.vector_load %arg6[%get3A_358, %get3A_359] {strides = array<i32>} : memref<24x128xf32, #tpu.memory_space<vmem>>, vector<16xf32>,
      %get3A_361 = arith.index_cast %scan3A_338 : i32 to index
      %get3A_362 = arith.constant 48 : index
      %get3A_363 = tpu.vector_load %arg6[%get3A_361, %get3A_362] {strides = array<i32>} : memref<24x128xf32, #tpu.memory_space<vmem>>, vector<16xf32>,
      %get3A_364 = arith.index_cast %scan3A_338 : i32 to index
      %get3A_365 = arith.constant 64 : index
      %get3A_366 = tpu.vector_load %arg6[%get3A_364, %get3A_365] {strides = array<i32>} : memref<24x128xf32, #tpu.memory_space<vmem>>, vector<16xf32>,
      %get3A_367 = arith.index_cast %scan3A_338 : i32 to index
      %get3A_368 = arith.constant 80 : index
      %get3A_369 = tpu.vector_load %arg6[%get3A_367, %get3A_368] {strides = array<i32>} : memref<24x128xf32, #tpu.memory_space<vmem>>, vector<16xf32>,
      %get3A_370 = arith.index_cast %scan3A_338 : i32 to index
      %get3A_371 = arith.constant 96 : index
      %get3A_372 = tpu.vector_load %arg6[%get3A_370, %get3A_371] {strides = array<i32>} : memref<24x128xf32, #tpu.memory_space<vmem>>, vector<16xf32>,
      %get3A_373 = arith.index_cast %scan3A_338 : i32 to index
      %get3A_374 = arith.constant 112 : index
      %get3A_375 = tpu.vector_load %arg6[%get3A_373, %get3A_374] {strides = array<i32>} : memref<24x128xf32, #tpu.memory_space<vmem>>, vector<16xf32>,
      %parallel_loop3A = arith.constant 1 : i32
      scf.for %parallel_loop3A_377 = %max3A_350 to %max3A_352 step %parallel_loop3A  : i32 {
        %parallel_loop3A_378 = arith.constant 512 : i32
        %parallel_loop3A_379 = arith.subi %parallel_loop3A_377, %parallel_loop3A_378 : i32
        %parallel_loop3A_380 = arith.index_cast %parallel_loop3A_379 : i32 to index
        %parallel_loop3A_381 = arith.constant 0 : index
        %parallel_loop3A_382 = tpu.vector_load %arg9[%parallel_loop3A_380, %parallel_loop3A_381] {strides = array<i32>} : memref<256x128xf32, #tpu.memory_space<vmem>>, vector<16xf32>,
        %parallel_loop3A_383 = arith.mulf %parallel_loop3A_382, %get3A_354 : vector<16xf32>
        %parallel_loop3A_384 = arith.index_cast %parallel_loop3A_379 : i32 to index
        %parallel_loop3A_385 = arith.constant 16 : index
        %parallel_loop3A_386 = tpu.vector_load %arg9[%parallel_loop3A_384, %parallel_loop3A_385] {strides = array<i32>} : memref<256x128xf32, #tpu.memory_space<vmem>>, vector<16xf32>,
        %parallel_loop3A_387 = arith.mulf %parallel_loop3A_386, %get3A_357 : vector<16xf32>
        %parallel_loop3A_388 = arith.index_cast %parallel_loop3A_379 : i32 to index
        %parallel_loop3A_389 = arith.constant 32 : index
        %parallel_loop3A_390 = tpu.vector_load %arg9[%parallel_loop3A_388, %parallel_loop3A_389] {strides = array<i32>} : memref<256x128xf32, #tpu.memory_space<vmem>>, vector<16xf32>,
        %parallel_loop3A_391 = arith.mulf %parallel_loop3A_390, %get3A_360 : vector<16xf32>
        %parallel_loop3A_392 = arith.index_cast %parallel_loop3A_379 : i32 to index
        %parallel_loop3A_393 = arith.constant 48 : index
        %parallel_loop3A_394 = tpu.vector_load %arg9[%parallel_loop3A_392, %parallel_loop3A_393] {strides = array<i32>} : memref<256x128xf32, #tpu.memory_space<vmem>>, vector<16xf32>,
        %parallel_loop3A_395 = arith.mulf %parallel_loop3A_394, %get3A_363 : vector<16xf32>
        %parallel_loop3A_396 = arith.index_cast %parallel_loop3A_379 : i32 to index
        %parallel_loop3A_397 = arith.constant 64 : index
        %parallel_loop3A_398 = tpu.vector_load %arg9[%parallel_loop3A_396, %parallel_loop3A_397] {strides = array<i32>} : memref<256x128xf32, #tpu.memory_space<vmem>>, vector<16xf32>,
        %parallel_loop3A_399 = arith.mulf %parallel_loop3A_398, %get3A_366 : vector<16xf32>
        %parallel_loop3A_400 = arith.addf %parallel_loop3A_383, %parallel_loop3A_399 : vector<16xf32>
        %parallel_loop3A_401 = arith.index_cast %parallel_loop3A_379 : i32 to index
        %parallel_loop3A_402 = arith.constant 80 : index
        %parallel_loop3A_403 = tpu.vector_load %arg9[%parallel_loop3A_401, %parallel_loop3A_402] {strides = array<i32>} : memref<256x128xf32, #tpu.memory_space<vmem>>, vector<16xf32>,
        %parallel_loop3A_404 = arith.mulf %parallel_loop3A_403, %get3A_369 : vector<16xf32>
        %parallel_loop3A_405 = arith.addf %parallel_loop3A_387, %parallel_loop3A_404 : vector<16xf32>
        %parallel_loop3A_406 = arith.index_cast %parallel_loop3A_379 : i32 to index
        %parallel_loop3A_407 = arith.constant 96 : index
        %parallel_loop3A_408 = tpu.vector_load %arg9[%parallel_loop3A_406, %parallel_loop3A_407] {strides = array<i32>} : memref<256x128xf32, #tpu.memory_space<vmem>>, vector<16xf32>,
        %parallel_loop3A_409 = arith.mulf %parallel_loop3A_408, %get3A_372 : vector<16xf32>
        %parallel_loop3A_410 = arith.addf %parallel_loop3A_391, %parallel_loop3A_409 : vector<16xf32>
        %parallel_loop3A_411 = arith.index_cast %parallel_loop3A_379 : i32 to index
        %parallel_loop3A_412 = arith.constant 112 : index
        %parallel_loop3A_413 = tpu.vector_load %arg9[%parallel_loop3A_411, %parallel_loop3A_412] {strides = array<i32>} : memref<256x128xf32, #tpu.memory_space<vmem>>, vector<16xf32>,
        %parallel_loop3A_414 = arith.mulf %parallel_loop3A_413, %get3A_375 : vector<16xf32>
        %parallel_loop3A_415 = arith.addf %parallel_loop3A_395, %parallel_loop3A_414 : vector<16xf32>
        %parallel_loop3A_416 = arith.addf %parallel_loop3A_400, %parallel_loop3A_405 : vector<16xf32>
        %parallel_loop3A_417 = arith.addf %parallel_loop3A_410, %parallel_loop3A_415 : vector<16xf32>
        %parallel_loop3A_418 = arith.addf %parallel_loop3A_416, %parallel_loop3A_417 : vector<16xf32>
        %parallel_loop3A_419 = arith.constant true
        %parallel_loop3A_420 = vector.broadcast %parallel_loop3A_419 : i1 to vector<16xi1>
        %parallel_loop3A_421 = tpu.scan <sum>, %parallel_loop3A_418 masked %parallel_loop3A_420 : vector<16xf32>, vector<16xi1> -> vector<16xf32>
        %parallel_loop3A_422 = arith.constant 0 : i32
        %parallel_loop3A_423 = vector.broadcast %parallel_loop3A_422 : i32 to vector<16xi32>
        %parallel_loop3A_424 = vector.broadcast %parallel_loop3A_377 : i32 to vector<16xi32>
        %parallel_loop3A_425 = arith.addi %parallel_loop3A_423, %parallel_loop3A_424 : vector<16xi32>
        tpu.vector_store_idx %arg11[%parallel_loop3A_425], %parallel_loop3A_421 masked %eq3A_4 : memref<1024xf32, #tpu.memory_space<vmem>>[vector<16xi32>], vector<16xf32>, vector<16xi1>
      } {sc.loop_unroll_factor = 4 : i64, sc.parallel_access}
      %scan3A_376 = arith.constant 0 : i32
      scf.yield %scan3A_376 : i32
    }
    %scan3A_310 = arith.constant 16 : i32
    %dma_wait3A_311 = arith.constant 0 : i32
    %dma_wait3A_312 = arith.constant 0 : i32
    %dma_wait3A_313 = tpu.memref_slice %arg7[%dma_wait3A_311, %dma_wait3A_312] : memref<256x128xf32, #tpu.memory_space<vmem>> -> memref<128x128xf32, #tpu.memory_space<vmem>>
    %dma_wait3A_314 = arith.constant 0 : i32
    %dma_wait3A_315 = tpu.memref_slice %arg4[%multiple_of3A_234, %dma_wait3A_314] : memref<32768x128xf32, #tpu.memory_space<hbm>> -> memref<128x128xf32, #tpu.memory_space<hbm>>
    %dma_wait3A_316 = arith.constant 0 : i32
    %dma_wait3A_317 = arith.constant 0 : i32
    %dma_wait3A_318 = tpu.memref_slice %arg7[%dma_wait3A_316, %dma_wait3A_317] : memref<256x128xf32, #tpu.memory_space<vmem>> -> memref<128x128xf32, #tpu.memory_space<vmem>>
    %dma_wait3A_319 = arith.constant 0 : i32
    %dma_wait3A_320 = tpu.memref_slice %arg4[%multiple_of3A_234, %dma_wait3A_319] : memref<32768x128xf32, #tpu.memory_space<hbm>> -> memref<128x128xf32, #tpu.memory_space<hbm>>
    tpu.wait_dma2 semaphore(%arg12 : memref<!tpu.dma_semaphore, #tpu.memory_space<semaphore_mem>>) src(%dma_wait3A_320 : memref<128x128xf32, #tpu.memory_space<hbm>>) dst(%dma_wait3A_318 : memref<128x128xf32, #tpu.memory_space<vmem>>)
    %dma_wait3A_321 = arith.constant 128 : i32
    %dma_wait3A_322 = arith.constant 0 : i32
    %dma_wait3A_323 = tpu.memref_slice %arg7[%dma_wait3A_321, %dma_wait3A_322] : memref<256x128xf32, #tpu.memory_space<vmem>> -> memref<128x128xf32, #tpu.memory_space<vmem>>
    %dma_wait3A_324 = arith.constant 0 : i32
    %dma_wait3A_325 = tpu.memref_slice %arg4[%add3A_246, %dma_wait3A_324] : memref<32768x128xf32, #tpu.memory_space<hbm>> -> memref<128x128xf32, #tpu.memory_space<hbm>>
    %dma_wait3A_326 = arith.constant 128 : i32
    %dma_wait3A_327 = arith.constant 0 : i32
    %dma_wait3A_328 = tpu.memref_slice %arg7[%dma_wait3A_326, %dma_wait3A_327] : memref<256x128xf32, #tpu.memory_space<vmem>> -> memref<128x128xf32, #tpu.memory_space<vmem>>
    %dma_wait3A_329 = arith.constant 0 : i32
    %dma_wait3A_330 = tpu.memref_slice %arg4[%add3A_246, %dma_wait3A_329] : memref<32768x128xf32, #tpu.memory_space<hbm>> -> memref<128x128xf32, #tpu.memory_space<hbm>>
    tpu.wait_dma2 semaphore(%arg13 : memref<!tpu.dma_semaphore, #tpu.memory_space<semaphore_mem>>) src(%dma_wait3A_330 : memref<128x128xf32, #tpu.memory_space<hbm>>) dst(%dma_wait3A_328 : memref<128x128xf32, #tpu.memory_space<vmem>>)
    %scan3A_331 = arith.constant 0 : i32
    %scan3A_332 = arith.constant 0 : i32
    %scan3A_333 = arith.constant 16 : i32
    %scan3A_334 = arith.addi %scan3A_332, %scan3A_333 : i32
    %scan3A_335 = arith.constant 1 : i32
    %scan3A_336 = scf.for %scan3A_338 = %scan3A_332 to %scan3A_334 step %scan3A_335 iter_args(%scan3A_339 = %scan3A_331) -> (i32)  : i32 {
      %broadcast_in_dim3A_340 = arith.constant 0 : i32
      %broadcast_in_dim3A_341 = vector.broadcast %broadcast_in_dim3A_340 : i32 to vector<16xi32>
      %add3A_342 = vector.broadcast %scan3A_338 : i32 to vector<16xi32>
      %add3A_343 = arith.addi %broadcast_in_dim3A_341, %add3A_342 : vector<16xi32>
      %gather3A = tpu.vector_load_idx %arg10[%add3A_343] : memref<32xi32, #tpu.memory_space<vmem>>[vector<16xi32>], vector<16xi32>,
      %slice3A = vector.extract_strided_slice %gather3A {offsets = [0], sizes = [1], strides = [1]} : vector<16xi32> to vector<1xi32>
      %squeeze3A = vector.extract %slice3A[0] : i32 from vector<1xi32>
      %add3A_344 = arith.constant 1 : i32
      %add3A_345 = vector.broadcast %add3A_344 : i32 to vector<16xi32>
      %add3A_346 = arith.addi %add3A_343, %add3A_345 : vector<16xi32>
      %gather3A_347 = tpu.vector_load_idx %arg10[%add3A_346] : memref<32xi32, #tpu.memory_space<vmem>>[vector<16xi32>], vector<16xi32>,
      %slice3A_348 = vector.extract_strided_slice %gather3A_347 {offsets = [0], sizes = [1], strides = [1]} : vector<16xi32> to vector<1xi32>
      %squeeze3A_349 = vector.extract %slice3A_348[0] : i32 from vector<1xi32>
      %max3A = arith.constant 768 : i32
      %max3A_350 = arith.maxsi %squeeze3A, %max3A : i32
      %min3A = arith.constant 1024 : i32
      %min3A_351 = arith.minsi %squeeze3A_349, %min3A : i32
      %max3A_352 = arith.maxsi %max3A_350, %min3A_351 : i32
      %get3A = arith.index_cast %scan3A_338 : i32 to index
      %get3A_353 = arith.constant 0 : index
      %get3A_354 = tpu.vector_load %arg6[%get3A, %get3A_353] {strides = array<i32>} : memref<24x128xf32, #tpu.memory_space<vmem>>, vector<16xf32>,
      %get3A_355 = arith.index_cast %scan3A_338 : i32 to index
      %get3A_356 = arith.constant 16 : index
      %get3A_357 = tpu.vector_load %arg6[%get3A_355, %get3A_356] {strides = array<i32>} : memref<24x128xf32, #tpu.memory_space<vmem>>, vector<16xf32>,
      %get3A_358 = arith.index_cast %scan3A_338 : i32 to index
      %get3A_359 = arith.constant 32 : index
      %get3A_360 = tpu.vector_load %arg6[%get3A_358, %get3A_359] {strides = array<i32>} : memref<24x128xf32, #tpu.memory_space<vmem>>, vector<16xf32>,
      %get3A_361 = arith.index_cast %scan3A_338 : i32 to index
      %get3A_362 = arith.constant 48 : index
      %get3A_363 = tpu.vector_load %arg6[%get3A_361, %get3A_362] {strides = array<i32>} : memref<24x128xf32, #tpu.memory_space<vmem>>, vector<16xf32>,
      %get3A_364 = arith.index_cast %scan3A_338 : i32 to index
      %get3A_365 = arith.constant 64 : index
      %get3A_366 = tpu.vector_load %arg6[%get3A_364, %get3A_365] {strides = array<i32>} : memref<24x128xf32, #tpu.memory_space<vmem>>, vector<16xf32>,
      %get3A_367 = arith.index_cast %scan3A_338 : i32 to index
      %get3A_368 = arith.constant 80 : index
      %get3A_369 = tpu.vector_load %arg6[%get3A_367, %get3A_368] {strides = array<i32>} : memref<24x128xf32, #tpu.memory_space<vmem>>, vector<16xf32>,
      %get3A_370 = arith.index_cast %scan3A_338 : i32 to index
      %get3A_371 = arith.constant 96 : index
      %get3A_372 = tpu.vector_load %arg6[%get3A_370, %get3A_371] {strides = array<i32>} : memref<24x128xf32, #tpu.memory_space<vmem>>, vector<16xf32>,
      %get3A_373 = arith.index_cast %scan3A_338 : i32 to index
      %get3A_374 = arith.constant 112 : index
      %get3A_375 = tpu.vector_load %arg6[%get3A_373, %get3A_374] {strides = array<i32>} : memref<24x128xf32, #tpu.memory_space<vmem>>, vector<16xf32>,
      %parallel_loop3A = arith.constant 1 : i32
      scf.for %parallel_loop3A_377 = %max3A_350 to %max3A_352 step %parallel_loop3A  : i32 {
        %parallel_loop3A_378 = arith.constant 768 : i32
        %parallel_loop3A_379 = arith.subi %parallel_loop3A_377, %parallel_loop3A_378 : i32
        %parallel_loop3A_380 = arith.index_cast %parallel_loop3A_379 : i32 to index
        %parallel_loop3A_381 = arith.constant 0 : index
        %parallel_loop3A_382 = tpu.vector_load %arg7[%parallel_loop3A_380, %parallel_loop3A_381] {strides = array<i32>} : memref<256x128xf32, #tpu.memory_space<vmem>>, vector<16xf32>,
        %parallel_loop3A_383 = arith.mulf %parallel_loop3A_382, %get3A_354 : vector<16xf32>
        %parallel_loop3A_384 = arith.index_cast %parallel_loop3A_379 : i32 to index
        %parallel_loop3A_385 = arith.constant 16 : index
        %parallel_loop3A_386 = tpu.vector_load %arg7[%parallel_loop3A_384, %parallel_loop3A_385] {strides = array<i32>} : memref<256x128xf32, #tpu.memory_space<vmem>>, vector<16xf32>,
        %parallel_loop3A_387 = arith.mulf %parallel_loop3A_386, %get3A_357 : vector<16xf32>
        %parallel_loop3A_388 = arith.index_cast %parallel_loop3A_379 : i32 to index
        %parallel_loop3A_389 = arith.constant 32 : index
        %parallel_loop3A_390 = tpu.vector_load %arg7[%parallel_loop3A_388, %parallel_loop3A_389] {strides = array<i32>} : memref<256x128xf32, #tpu.memory_space<vmem>>, vector<16xf32>,
        %parallel_loop3A_391 = arith.mulf %parallel_loop3A_390, %get3A_360 : vector<16xf32>
        %parallel_loop3A_392 = arith.index_cast %parallel_loop3A_379 : i32 to index
        %parallel_loop3A_393 = arith.constant 48 : index
        %parallel_loop3A_394 = tpu.vector_load %arg7[%parallel_loop3A_392, %parallel_loop3A_393] {strides = array<i32>} : memref<256x128xf32, #tpu.memory_space<vmem>>, vector<16xf32>,
        %parallel_loop3A_395 = arith.mulf %parallel_loop3A_394, %get3A_363 : vector<16xf32>
        %parallel_loop3A_396 = arith.index_cast %parallel_loop3A_379 : i32 to index
        %parallel_loop3A_397 = arith.constant 64 : index
        %parallel_loop3A_398 = tpu.vector_load %arg7[%parallel_loop3A_396, %parallel_loop3A_397] {strides = array<i32>} : memref<256x128xf32, #tpu.memory_space<vmem>>, vector<16xf32>,
        %parallel_loop3A_399 = arith.mulf %parallel_loop3A_398, %get3A_366 : vector<16xf32>
        %parallel_loop3A_400 = arith.addf %parallel_loop3A_383, %parallel_loop3A_399 : vector<16xf32>
        %parallel_loop3A_401 = arith.index_cast %parallel_loop3A_379 : i32 to index
        %parallel_loop3A_402 = arith.constant 80 : index
        %parallel_loop3A_403 = tpu.vector_load %arg7[%parallel_loop3A_401, %parallel_loop3A_402] {strides = array<i32>} : memref<256x128xf32, #tpu.memory_space<vmem>>, vector<16xf32>,
        %parallel_loop3A_404 = arith.mulf %parallel_loop3A_403, %get3A_369 : vector<16xf32>
        %parallel_loop3A_405 = arith.addf %parallel_loop3A_387, %parallel_loop3A_404 : vector<16xf32>
        %parallel_loop3A_406 = arith.index_cast %parallel_loop3A_379 : i32 to index
        %parallel_loop3A_407 = arith.constant 96 : index
        %parallel_loop3A_408 = tpu.vector_load %arg7[%parallel_loop3A_406, %parallel_loop3A_407] {strides = array<i32>} : memref<256x128xf32, #tpu.memory_space<vmem>>, vector<16xf32>,
        %parallel_loop3A_409 = arith.mulf %parallel_loop3A_408, %get3A_372 : vector<16xf32>
        %parallel_loop3A_410 = arith.addf %parallel_loop3A_391, %parallel_loop3A_409 : vector<16xf32>
        %parallel_loop3A_411 = arith.index_cast %parallel_loop3A_379 : i32 to index
        %parallel_loop3A_412 = arith.constant 112 : index
        %parallel_loop3A_413 = tpu.vector_load %arg7[%parallel_loop3A_411, %parallel_loop3A_412] {strides = array<i32>} : memref<256x128xf32, #tpu.memory_space<vmem>>, vector<16xf32>,
        %parallel_loop3A_414 = arith.mulf %parallel_loop3A_413, %get3A_375 : vector<16xf32>
        %parallel_loop3A_415 = arith.addf %parallel_loop3A_395, %parallel_loop3A_414 : vector<16xf32>
        %parallel_loop3A_416 = arith.addf %parallel_loop3A_400, %parallel_loop3A_405 : vector<16xf32>
        %parallel_loop3A_417 = arith.addf %parallel_loop3A_410, %parallel_loop3A_415 : vector<16xf32>
        %parallel_loop3A_418 = arith.addf %parallel_loop3A_416, %parallel_loop3A_417 : vector<16xf32>
        %parallel_loop3A_419 = arith.constant true
        %parallel_loop3A_420 = vector.broadcast %parallel_loop3A_419 : i1 to vector<16xi1>
        %parallel_loop3A_421 = tpu.scan <sum>, %parallel_loop3A_418 masked %parallel_loop3A_420 : vector<16xf32>, vector<16xi1> -> vector<16xf32>
        %parallel_loop3A_422 = arith.constant 0 : i32
        %parallel_loop3A_423 = vector.broadcast %parallel_loop3A_422 : i32 to vector<16xi32>
        %parallel_loop3A_424 = vector.broadcast %parallel_loop3A_377 : i32 to vector<16xi32>
        %parallel_loop3A_425 = arith.addi %parallel_loop3A_423, %parallel_loop3A_424 : vector<16xi32>
        tpu.vector_store_idx %arg11[%parallel_loop3A_425], %parallel_loop3A_421 masked %eq3A_4 : memref<1024xf32, #tpu.memory_space<vmem>>[vector<16xi32>], vector<16xf32>, vector<16xi1>
      } {sc.loop_unroll_factor = 4 : i64, sc.parallel_access}
      %scan3A_376 = arith.constant 0 : i32
      scf.yield %scan3A_376 : i32
    }
    %scan3A_337 = arith.constant 16 : i32
    "tpu.region"() ({
      %run_scoped3A = tpu.sem_alloc : memref<!tpu.dma_semaphore, #tpu.memory_space<semaphore_mem>>
      %dma_start3A_338 = tpu.memref_slice %arg5[%multiple_of3A] : memref<32768xf32, #tpu.memory_space<hbm>> -> memref<1024xf32, #tpu.memory_space<hbm>>
      %dma_start3A_339 = tpu.memref_slice %arg5[%multiple_of3A] : memref<32768xf32, #tpu.memory_space<hbm>> -> memref<1024xf32, #tpu.memory_space<hbm>>
      tpu.enqueue_dma source(%arg11 : memref<1024xf32, #tpu.memory_space<vmem>>) target(%dma_start3A_339 : memref<1024xf32, #tpu.memory_space<hbm>>) target_semaphore(%run_scoped3A : memref<!tpu.dma_semaphore, #tpu.memory_space<semaphore_mem>>)
      %dma_wait3A_340 = tpu.memref_slice %arg5[%multiple_of3A] : memref<32768xf32, #tpu.memory_space<hbm>> -> memref<1024xf32, #tpu.memory_space<hbm>>
      %dma_wait3A_341 = tpu.memref_slice %arg5[%multiple_of3A] : memref<32768xf32, #tpu.memory_space<hbm>> -> memref<1024xf32, #tpu.memory_space<hbm>>
      tpu.wait_dma2 semaphore(%run_scoped3A : memref<!tpu.dma_semaphore, #tpu.memory_space<semaphore_mem>>) src(%arg11 : memref<1024xf32, #tpu.memory_space<vmem>>) dst(%dma_wait3A_341 : memref<1024xf32, #tpu.memory_space<hbm>>)
      tpu.yield
    }) : () -> ()
    return
  }
}

module attributes {stable_mosaic.version = 14 : i64} {
  func.func @_prep_body(%arg0: memref<17xi32, #tpu.memory_space<smem>>, %arg1: memref<16x256xf32, #tpu.memory_space<vmem>>, %arg2: memref<128x256xf32, #tpu.memory_space<vmem>>, %arg3: memref<1x128xf32, #tpu.memory_space<vmem>>, %arg4: memref<128x128xf32, #tpu.memory_space<vmem>>, %arg5: memref<24x128xf32, #tpu.memory_space<vmem>>, %arg6: memref<32x32xi32, #tpu.memory_space<vmem>>) attributes {dimension_semantics = [], scalar_prefetch = 0 : i64, scratch_operands = 0 : i64, tpu.core_type = #tpu.core_type<tc>} {
    %get3A = arith.constant 0 : index
    %get3A_0 = arith.constant 0 : index
    %get3A_1 = vector.load %arg1[%get3A, %get3A_0] : memref<16x256xf32, #tpu.memory_space<vmem>>, vector<16x256xf32>
    %get3A_2 = arith.constant 0 : index
    %get3A_3 = arith.constant 0 : index
    %get3A_4 = vector.load %arg2[%get3A_2, %get3A_3] : memref<128x256xf32, #tpu.memory_space<vmem>>, vector<128x256xf32>
    %dot_general3A = arith.constant dense<0.000000e+00> : vector<16x128xf32>
    %dot_general3A_5 = tpu.matmul %get3A_1, %get3A_4, %dot_general3A {dimension_numbers = #tpu.dot_dimension_numbers<[1], [1], [0], [0], [0, 0, 1, 0], [], []>, transpose_lhs_hint = false} : vector<16x256xf32>, vector<128x256xf32>, vector<16x128xf32> -> vector<16x128xf32>
    %get3A_6 = arith.constant 0 : index
    %get3A_7 = arith.constant 0 : index
    %get3A_8 = vector.load %arg3[%get3A_6, %get3A_7] : memref<1x128xf32, #tpu.memory_space<vmem>>, vector<1x128xf32>
    %add3A = vector.broadcast %get3A_8 : vector<1x128xf32> to vector<16x128xf32>
    %add3A_9 = arith.addf %dot_general3A_5, %add3A : vector<16x128xf32>
    %get3A_10 = arith.constant 0 : index
    %get3A_11 = arith.constant 0 : index
    %get3A_12 = vector.load %arg4[%get3A_10, %get3A_11] : memref<128x128xf32, #tpu.memory_space<vmem>>, vector<128x128xf32>
    %dot_general3A_13 = arith.constant dense<0.000000e+00> : vector<16x128xf32>
    %dot_general3A_14 = tpu.matmul %add3A_9, %get3A_12, %dot_general3A_13 {dimension_numbers = #tpu.dot_dimension_numbers<[1], [1], [0], [0], [0, 0, 1, 0], [], []>, transpose_lhs_hint = false} : vector<16x128xf32>, vector<128x128xf32>, vector<16x128xf32> -> vector<16x128xf32>
    %broadcast_in_dim3A = arith.constant 0.000000e+00 : f32
    %broadcast_in_dim3A_15 = vector.broadcast %broadcast_in_dim3A : f32 to vector<24x128xf32>
    %swap3A = arith.constant 0 : index
    %swap3A_16 = arith.constant 0 : index
    %swap3A_17 = vector.load %arg5[%swap3A, %swap3A_16] : memref<24x128xf32, #tpu.memory_space<vmem>>, vector<24x128xf32>
    tpu.vector_store %arg5[%swap3A, %swap3A_16], %broadcast_in_dim3A_15 {strides = array<i32>} : memref<24x128xf32, #tpu.memory_space<vmem>>, vector<24x128xf32>,
    %swap3A_18 = arith.constant 0 : index
    %swap3A_19 = arith.constant 0 : index
    %swap3A_20 = vector.load %arg5[%swap3A_18, %swap3A_19] : memref<24x128xf32, #tpu.memory_space<vmem>>, vector<16x128xf32>
    tpu.vector_store %arg5[%swap3A_18, %swap3A_19], %dot_general3A_14 {strides = array<i32>} : memref<24x128xf32, #tpu.memory_space<vmem>>, vector<16x128xf32>,
    %iota3A = tpu.iota {dimensions = array<i32: 0>} : vector<32x32xi32>
    %mul3A = arith.constant 1024 : i32
    %mul3A_21 = vector.broadcast %mul3A : i32 to vector<32x32xi32>
    %mul3A_22 = arith.muli %iota3A, %mul3A_21 : vector<32x32xi32>
    %broadcast_in_dim3A_23 = arith.constant 0 : i32
    %broadcast_in_dim3A_24 = vector.broadcast %broadcast_in_dim3A_23 : i32 to vector<32x32xi32>
    %iota3A_25 = tpu.iota {dimensions = array<i32: 1>} : vector<32x32xi32>
    %eq3A = arith.constant 0 : i32
    %eq3A_26 = vector.broadcast %eq3A : i32 to vector<32x32xi32>
    %eq3A_27 = arith.cmpi eq, %iota3A_25, %eq3A_26 : vector<32x32xi32>
    %get3A_28 = arith.constant 0 : index
    %get3A_29 = memref.load %arg0[%get3A_28] : memref<17xi32, #tpu.memory_space<smem>>
    %broadcast_in_dim3A_30 = vector.broadcast %get3A_29 : i32 to vector<32x32xi32>
    %select_n3A = arith.select %eq3A_27, %broadcast_in_dim3A_30, %broadcast_in_dim3A_24 : vector<32x32xi1>, vector<32x32xi32>
    %iota3A_31 = tpu.iota {dimensions = array<i32: 1>} : vector<32x32xi32>
    %eq3A_32 = arith.constant 1 : i32
    %eq3A_33 = vector.broadcast %eq3A_32 : i32 to vector<32x32xi32>
    %eq3A_34 = arith.cmpi eq, %iota3A_31, %eq3A_33 : vector<32x32xi32>
    %get3A_35 = arith.constant 1 : index
    %get3A_36 = memref.load %arg0[%get3A_35] : memref<17xi32, #tpu.memory_space<smem>>
    %broadcast_in_dim3A_37 = vector.broadcast %get3A_36 : i32 to vector<32x32xi32>
    %select_n3A_38 = arith.select %eq3A_34, %broadcast_in_dim3A_37, %select_n3A : vector<32x32xi1>, vector<32x32xi32>
    %iota3A_39 = tpu.iota {dimensions = array<i32: 1>} : vector<32x32xi32>
    %eq3A_40 = arith.constant 2 : i32
    %eq3A_41 = vector.broadcast %eq3A_40 : i32 to vector<32x32xi32>
    %eq3A_42 = arith.cmpi eq, %iota3A_39, %eq3A_41 : vector<32x32xi32>
    %get3A_43 = arith.constant 2 : index
    %get3A_44 = memref.load %arg0[%get3A_43] : memref<17xi32, #tpu.memory_space<smem>>
    %broadcast_in_dim3A_45 = vector.broadcast %get3A_44 : i32 to vector<32x32xi32>
    %select_n3A_46 = arith.select %eq3A_42, %broadcast_in_dim3A_45, %select_n3A_38 : vector<32x32xi1>, vector<32x32xi32>
    %iota3A_47 = tpu.iota {dimensions = array<i32: 1>} : vector<32x32xi32>
    %eq3A_48 = arith.constant 3 : i32
    %eq3A_49 = vector.broadcast %eq3A_48 : i32 to vector<32x32xi32>
    %eq3A_50 = arith.cmpi eq, %iota3A_47, %eq3A_49 : vector<32x32xi32>
    %get3A_51 = arith.constant 3 : index
    %get3A_52 = memref.load %arg0[%get3A_51] : memref<17xi32, #tpu.memory_space<smem>>
    %broadcast_in_dim3A_53 = vector.broadcast %get3A_52 : i32 to vector<32x32xi32>
    %select_n3A_54 = arith.select %eq3A_50, %broadcast_in_dim3A_53, %select_n3A_46 : vector<32x32xi1>, vector<32x32xi32>
    %iota3A_55 = tpu.iota {dimensions = array<i32: 1>} : vector<32x32xi32>
    %eq3A_56 = arith.constant 4 : i32
    %eq3A_57 = vector.broadcast %eq3A_56 : i32 to vector<32x32xi32>
    %eq3A_58 = arith.cmpi eq, %iota3A_55, %eq3A_57 : vector<32x32xi32>
    %get3A_59 = arith.constant 4 : index
    %get3A_60 = memref.load %arg0[%get3A_59] : memref<17xi32, #tpu.memory_space<smem>>
    %broadcast_in_dim3A_61 = vector.broadcast %get3A_60 : i32 to vector<32x32xi32>
    %select_n3A_62 = arith.select %eq3A_58, %broadcast_in_dim3A_61, %select_n3A_54 : vector<32x32xi1>, vector<32x32xi32>
    %iota3A_63 = tpu.iota {dimensions = array<i32: 1>} : vector<32x32xi32>
    %eq3A_64 = arith.constant 5 : i32
    %eq3A_65 = vector.broadcast %eq3A_64 : i32 to vector<32x32xi32>
    %eq3A_66 = arith.cmpi eq, %iota3A_63, %eq3A_65 : vector<32x32xi32>
    %get3A_67 = arith.constant 5 : index
    %get3A_68 = memref.load %arg0[%get3A_67] : memref<17xi32, #tpu.memory_space<smem>>
    %broadcast_in_dim3A_69 = vector.broadcast %get3A_68 : i32 to vector<32x32xi32>
    %select_n3A_70 = arith.select %eq3A_66, %broadcast_in_dim3A_69, %select_n3A_62 : vector<32x32xi1>, vector<32x32xi32>
    %iota3A_71 = tpu.iota {dimensions = array<i32: 1>} : vector<32x32xi32>
    %eq3A_72 = arith.constant 6 : i32
    %eq3A_73 = vector.broadcast %eq3A_72 : i32 to vector<32x32xi32>
    %eq3A_74 = arith.cmpi eq, %iota3A_71, %eq3A_73 : vector<32x32xi32>
    %get3A_75 = arith.constant 6 : index
    %get3A_76 = memref.load %arg0[%get3A_75] : memref<17xi32, #tpu.memory_space<smem>>
    %broadcast_in_dim3A_77 = vector.broadcast %get3A_76 : i32 to vector<32x32xi32>
    %select_n3A_78 = arith.select %eq3A_74, %broadcast_in_dim3A_77, %select_n3A_70 : vector<32x32xi1>, vector<32x32xi32>
    %iota3A_79 = tpu.iota {dimensions = array<i32: 1>} : vector<32x32xi32>
    %eq3A_80 = arith.constant 7 : i32
    %eq3A_81 = vector.broadcast %eq3A_80 : i32 to vector<32x32xi32>
    %eq3A_82 = arith.cmpi eq, %iota3A_79, %eq3A_81 : vector<32x32xi32>
    %get3A_83 = arith.constant 7 : index
    %get3A_84 = memref.load %arg0[%get3A_83] : memref<17xi32, #tpu.memory_space<smem>>
    %broadcast_in_dim3A_85 = vector.broadcast %get3A_84 : i32 to vector<32x32xi32>
    %select_n3A_86 = arith.select %eq3A_82, %broadcast_in_dim3A_85, %select_n3A_78 : vector<32x32xi1>, vector<32x32xi32>
    %iota3A_87 = tpu.iota {dimensions = array<i32: 1>} : vector<32x32xi32>
    %eq3A_88 = arith.constant 8 : i32
    %eq3A_89 = vector.broadcast %eq3A_88 : i32 to vector<32x32xi32>
    %eq3A_90 = arith.cmpi eq, %iota3A_87, %eq3A_89 : vector<32x32xi32>
    %get3A_91 = arith.constant 8 : index
    %get3A_92 = memref.load %arg0[%get3A_91] : memref<17xi32, #tpu.memory_space<smem>>
    %broadcast_in_dim3A_93 = vector.broadcast %get3A_92 : i32 to vector<32x32xi32>
    %select_n3A_94 = arith.select %eq3A_90, %broadcast_in_dim3A_93, %select_n3A_86 : vector<32x32xi1>, vector<32x32xi32>
    %iota3A_95 = tpu.iota {dimensions = array<i32: 1>} : vector<32x32xi32>
    %eq3A_96 = arith.constant 9 : i32
    %eq3A_97 = vector.broadcast %eq3A_96 : i32 to vector<32x32xi32>
    %eq3A_98 = arith.cmpi eq, %iota3A_95, %eq3A_97 : vector<32x32xi32>
    %get3A_99 = arith.constant 9 : index
    %get3A_100 = memref.load %arg0[%get3A_99] : memref<17xi32, #tpu.memory_space<smem>>
    %broadcast_in_dim3A_101 = vector.broadcast %get3A_100 : i32 to vector<32x32xi32>
    %select_n3A_102 = arith.select %eq3A_98, %broadcast_in_dim3A_101, %select_n3A_94 : vector<32x32xi1>, vector<32x32xi32>
    %iota3A_103 = tpu.iota {dimensions = array<i32: 1>} : vector<32x32xi32>
    %eq3A_104 = arith.constant 10 : i32
    %eq3A_105 = vector.broadcast %eq3A_104 : i32 to vector<32x32xi32>
    %eq3A_106 = arith.cmpi eq, %iota3A_103, %eq3A_105 : vector<32x32xi32>
    %get3A_107 = arith.constant 10 : index
    %get3A_108 = memref.load %arg0[%get3A_107] : memref<17xi32, #tpu.memory_space<smem>>
    %broadcast_in_dim3A_109 = vector.broadcast %get3A_108 : i32 to vector<32x32xi32>
    %select_n3A_110 = arith.select %eq3A_106, %broadcast_in_dim3A_109, %select_n3A_102 : vector<32x32xi1>, vector<32x32xi32>
    %iota3A_111 = tpu.iota {dimensions = array<i32: 1>} : vector<32x32xi32>
    %eq3A_112 = arith.constant 11 : i32
    %eq3A_113 = vector.broadcast %eq3A_112 : i32 to vector<32x32xi32>
    %eq3A_114 = arith.cmpi eq, %iota3A_111, %eq3A_113 : vector<32x32xi32>
    %get3A_115 = arith.constant 11 : index
    %get3A_116 = memref.load %arg0[%get3A_115] : memref<17xi32, #tpu.memory_space<smem>>
    %broadcast_in_dim3A_117 = vector.broadcast %get3A_116 : i32 to vector<32x32xi32>
    %select_n3A_118 = arith.select %eq3A_114, %broadcast_in_dim3A_117, %select_n3A_110 : vector<32x32xi1>, vector<32x32xi32>
    %iota3A_119 = tpu.iota {dimensions = array<i32: 1>} : vector<32x32xi32>
    %eq3A_120 = arith.constant 12 : i32
    %eq3A_121 = vector.broadcast %eq3A_120 : i32 to vector<32x32xi32>
    %eq3A_122 = arith.cmpi eq, %iota3A_119, %eq3A_121 : vector<32x32xi32>
    %get3A_123 = arith.constant 12 : index
    %get3A_124 = memref.load %arg0[%get3A_123] : memref<17xi32, #tpu.memory_space<smem>>
    %broadcast_in_dim3A_125 = vector.broadcast %get3A_124 : i32 to vector<32x32xi32>
    %select_n3A_126 = arith.select %eq3A_122, %broadcast_in_dim3A_125, %select_n3A_118 : vector<32x32xi1>, vector<32x32xi32>
    %iota3A_127 = tpu.iota {dimensions = array<i32: 1>} : vector<32x32xi32>
    %eq3A_128 = arith.constant 13 : i32
    %eq3A_129 = vector.broadcast %eq3A_128 : i32 to vector<32x32xi32>
    %eq3A_130 = arith.cmpi eq, %iota3A_127, %eq3A_129 : vector<32x32xi32>
    %get3A_131 = arith.constant 13 : index
    %get3A_132 = memref.load %arg0[%get3A_131] : memref<17xi32, #tpu.memory_space<smem>>
    %broadcast_in_dim3A_133 = vector.broadcast %get3A_132 : i32 to vector<32x32xi32>
    %select_n3A_134 = arith.select %eq3A_130, %broadcast_in_dim3A_133, %select_n3A_126 : vector<32x32xi1>, vector<32x32xi32>
    %iota3A_135 = tpu.iota {dimensions = array<i32: 1>} : vector<32x32xi32>
    %eq3A_136 = arith.constant 14 : i32
    %eq3A_137 = vector.broadcast %eq3A_136 : i32 to vector<32x32xi32>
    %eq3A_138 = arith.cmpi eq, %iota3A_135, %eq3A_137 : vector<32x32xi32>
    %get3A_139 = arith.constant 14 : index
    %get3A_140 = memref.load %arg0[%get3A_139] : memref<17xi32, #tpu.memory_space<smem>>
    %broadcast_in_dim3A_141 = vector.broadcast %get3A_140 : i32 to vector<32x32xi32>
    %select_n3A_142 = arith.select %eq3A_138, %broadcast_in_dim3A_141, %select_n3A_134 : vector<32x32xi1>, vector<32x32xi32>
    %iota3A_143 = tpu.iota {dimensions = array<i32: 1>} : vector<32x32xi32>
    %eq3A_144 = arith.constant 15 : i32
    %eq3A_145 = vector.broadcast %eq3A_144 : i32 to vector<32x32xi32>
    %eq3A_146 = arith.cmpi eq, %iota3A_143, %eq3A_145 : vector<32x32xi32>
    %get3A_147 = arith.constant 15 : index
    %get3A_148 = memref.load %arg0[%get3A_147] : memref<17xi32, #tpu.memory_space<smem>>
    %broadcast_in_dim3A_149 = vector.broadcast %get3A_148 : i32 to vector<32x32xi32>
    %select_n3A_150 = arith.select %eq3A_146, %broadcast_in_dim3A_149, %select_n3A_142 : vector<32x32xi1>, vector<32x32xi32>
    %iota3A_151 = tpu.iota {dimensions = array<i32: 1>} : vector<32x32xi32>
    %eq3A_152 = arith.constant 16 : i32
    %eq3A_153 = vector.broadcast %eq3A_152 : i32 to vector<32x32xi32>
    %eq3A_154 = arith.cmpi eq, %iota3A_151, %eq3A_153 : vector<32x32xi32>
    %get3A_155 = arith.constant 16 : index
    %get3A_156 = memref.load %arg0[%get3A_155] : memref<17xi32, #tpu.memory_space<smem>>
    %broadcast_in_dim3A_157 = vector.broadcast %get3A_156 : i32 to vector<32x32xi32>
    %select_n3A_158 = arith.select %eq3A_154, %broadcast_in_dim3A_157, %select_n3A_150 : vector<32x32xi1>, vector<32x32xi32>
    %sub3A = arith.subi %select_n3A_158, %mul3A_22 : vector<32x32xi32>
    %jit3A = arith.constant 0 : i32
    %jit3A_159 = arith.constant 1024 : i32
    %max3A = vector.broadcast %jit3A : i32 to vector<32x32xi32>
    %max3A_160 = arith.maxsi %max3A, %sub3A : vector<32x32xi32>
    %min3A = vector.broadcast %jit3A_159 : i32 to vector<32x32xi32>
    %min3A_161 = arith.minsi %min3A, %max3A_160 : vector<32x32xi32>
    %swap3A_162 = arith.constant 0 : index
    %swap3A_163 = arith.constant 0 : index
    %swap3A_164 = vector.load %arg6[%swap3A_162, %swap3A_163] : memref<32x32xi32, #tpu.memory_space<vmem>>, vector<32x32xi32>
    tpu.vector_store %arg6[%swap3A_162, %swap3A_163], %min3A_161 {strides = array<i32>} : memref<32x32xi32, #tpu.memory_space<vmem>>, vector<32x32xi32>,
    return
  }
}

</mosaic_0001>

<sc_bundles>
// kernel: kernel.4.cloned.1.call-start
scs
__scs_entry_jumppad:
0x0: {  	(pc) =	sbr.rel $0x88, $3  }
0x1: {  	(tag) =	ssettag $0x0;
	lr =	simm.s32 $0x1  }
0x2: {  	[smem:$0x3F9B] =	sst lr;
	_ =	strace $0xD0000000  }
0x3: {  	_ = 	snop  }
0x4: {  	_ = 	snop  }
0x5: {  	_ = 	snop  }
0x6: {  	_ = 	snop  }
0x7: {  	_ = 	snop  }
__scs_overlays_trampoline_lowered:
0x8: {  	[smem:$0x3FAA] =	sst s0  }
0x9: {  	[smem:$0x3FAB] =	sst s1  }
0xa: {  	[smem:$0x3FAC] =	sst s2  }
0xb: {  	[smem:$0x3FAD] =	sst s3  }
0xc: {  	[smem:$0x3FAE] =	sst s4  }
0xd: {  	[smem:$0x3FAF] =	sst s5  }
0xe: {  	[smem:$0x3FB0] =	sst s6  }
0xf: {  	[smem:$0x3FB1] =	sst s7  }
0x10: {  	[smem:$0x3FB2] =	sst s8  }
0x11: {  	[smem:$0x3FB3] =	sst s9;
	s0 =	simm.s32 @!p0 $0x0  }
0x12: {  	s1 =	sld [smem:$0x3F99];
	s0 =	simm.s32 @p0 $0x1  }
0x13: {  	[smem:$0x3FB4] =	sst s0;
	s0 =	simm.s32 @!p1 $0x0  }
0x14: {  	s2 =	sld [smem:$0x3F98];
	s0 =	simm.s32 @p1 $0x1  }
0x15: {  	[smem:$0x3FB5] =	sst s0;
	s0 =	simm.s32 @!p2 $0x0  }
0x16: {  	s3 =	sld [smem:$0x3FDB];
	s0 =	simm.s32 @p2 $0x1  }
0x17: {  	s4 =	simm.s32 $0x1BF5;
	[smem:$0x3FB7] =	sst s0  }
0x18: {  	s0 =	sld [smem:$0x3F9A];
	_ =	swait.ge [sflag:s4], $0x0  }
0x19: {  	s7 =	sld [smem:$0x3F9B]  }
0x1a: {  	s8 =	sadd.s32 $0xFFFFE003, lr  }
0x1b: {  	s9 =	sadd.s32 $0xFFFFFEF7, lr;
	s5 =	simm.s32 $0xFFFFFFFF;
	p2 =	slt.u32 s8, $0xFFFFF086  }
0x1c: {  	p1 =	slt.u32 s9, $0xF7A;
	s5 =	simm.s32 @!p2 $0x0  }
0x1d: {  	s5 =	simm.s32 @p1 $0x1;
	p0 =	seq.s32 s7, s2  }
0x1e: {  	s7 =	smul.u32 @!p0 $0xF7A, s2;
	p2 =	seq.s32 @!p0 s5, $0x0  }
0x1f: {  	s9 =	smul.u32 $0xF7A, s1;
	s8 =	simm.s32 @!p0 $0x1BF5;
	p2 =	por !p2, p0  }
0x20: {  	[sflag:s8] =	ssyncset.s32 @!p0 $0xFFFFF086;
	s6 =	sadd.s32 @!p0 s3, s7;
	s7 =	simm.s32 @!p0 $0x108  }
0x21: {  	s3 =	sadd.s32 s3, s9;
	s6 =	sadd.s32 @!p0 $0x88, s6;
	s7 =	simm.s32 @p2 $0x1082  }
0x22: {  	[simem:s7], [sflag:s8] =	dma.local @!p0 [hbm:s6], $0xF7A  }
0x23: {  	s9 =	sor.u32 $0xD0000000, s2;
	s6 =	simm.s32 $0x108;
	_ =	swait.ge @!p0 [sflag:s8], $0x0  }
0x24: {  	s3 =	sadd.s32 $0x88, s3;
	s6 =	simm.s32 @!p1 $0x1082;
	[sflag:s4] =	ssyncset.s32 $0xFFFFF086  }
0x25: {  	[simem:s6], [sflag:s4] =	dma.local [hbm:s3], $0xF7A  }
0x26: {  	[smem:$0x3F9B] =	sst s1;
	(tag) =	ssettag s2;
	_ =	strace s9  }
0x27: {  	s1 =	sld [smem:$0x3FAB]  }
0x28: {  	s2 =	sld [smem:$0x3FAC]  }
0x29: {  	s4 =	sld [smem:$0x3FAE]  }
0x2a: {  	p0 =	seq.s32 s5, $0x0;
	s5 =	sld [smem:$0x3FAF]  }
0x2b: {  	s6 =	sld [smem:$0x3FB0]  }
0x2c: {  	s7 =	sld [smem:$0x3FB1]  }
0x2d: {  	s3 =	simm.s32 $0x108;
	s8 =	sld [smem:$0x3FB2]  }
0x2e: {  	s3 =	simm.s32 @!p0 $0x1082;
	s9 =	sld [smem:$0x3FB3]  }
0x2f: {  	lr =	sadd.s32 s0, s3;
	s0 =	sld [smem:$0x3FAA]  }
0x30: {  	s3 =	sld [smem:$0x3FAD]  }
0x31: {  	[smem:$0x3FB6] =	sst s10  }
0x32: {  	s10 =	sld [smem:$0x3FB4];
	_ =	sdelay $0x3  }
0x33: {  	p0 =	seq.s32 s10, $0x1;
	s10 =	sld [smem:$0x3FB6];
	_ =	sdelay $0x3  }
0x34: {  	[smem:$0x3FB6] =	sst s10  }
0x35: {  	s10 =	sld [smem:$0x3FB5];
	_ =	sdelay $0x3  }
0x36: {  	p1 =	seq.s32 s10, $0x1;
	s10 =	sld [smem:$0x3FB6];
	_ =	sdelay $0x3  }
0x37: {  	[smem:$0x3FB6] =	sst s10  }
0x38: {  	s10 =	sld [smem:$0x3FB7]  }
0x39: {  	_ = 	snop;
	(pc) =	sbr.ind lr, $3  }
0x3a: {  	_ = 	snop  }
0x3b: {  	_ = 	snop  }
0x3c: {  	p2 =	seq.s32 s10, $0x1;
	s10 =	sld [smem:$0x3FB6]  }
0x3d: {  	_ =	shalt  }
0x3e: {  	_ =	shalt  }
0x3f: {  	_ =	shalt  }
0x40: {  	_ =	shalt  }
0x41: {  	_ =	shalt  }
0x42: {  	_ =	shalt  }
0x43: {  	_ =	shalt  }
0x44: {  	_ =	shalt  }
0x45: {  	_ =	shalt  }
0x46: {  	_ =	shalt  }
0x47: {  	_ =	shalt  }
0x48: {  	_ =	shalt  }
0x49: {  	_ =	shalt  }
0x4a: {  	_ =	shalt  }
0x4b: {  	_ =	shalt  }
0x4c: {  	_ =	shalt  }
0x4d: {  	_ =	shalt  }
0x4e: {  	_ =	shalt  }
0x4f: {  	_ =	shalt  }
0x50: {  	_ =	shalt  }
0x51: {  	_ =	shalt  }
0x52: {  	_ =	shalt  }
0x53: {  	_ =	shalt  }
0x54: {  	_ =	shalt  }
0x55: {  	_ =	shalt  }
0x56: {  	_ =	shalt  }
0x57: {  	_ =	shalt  }
0x58: {  	_ =	shalt  }
0x59: {  	_ =	shalt  }
0x5a: {  	_ =	shalt  }
0x5b: {  	_ =	shalt  }
0x5c: {  	_ =	shalt  }
0x5d: {  	_ =	shalt  }
0x5e: {  	_ =	shalt  }
0x5f: {  	_ =	shalt  }
0x60: {  	_ =	shalt  }
0x61: {  	_ =	shalt  }
0x62: {  	_ =	shalt  }
0x63: {  	_ =	shalt  }
0x64: {  	_ =	shalt  }
0x65: {  	_ =	shalt  }
0x66: {  	_ =	shalt  }
0x67: {  	_ =	shalt  }
0x68: {  	_ =	shalt  }
0x69: {  	_ =	shalt  }
0x6a: {  	_ =	shalt  }
0x6b: {  	_ =	shalt  }
0x6c: {  	_ =	shalt  }
0x6d: {  	_ =	shalt  }
0x6e: {  	_ =	shalt  }
0x6f: {  	_ =	shalt  }
0x70: {  	_ =	shalt  }
0x71: {  	_ =	shalt  }
0x72: {  	_ =	shalt  }
0x73: {  	_ =	shalt  }
0x74: {  	_ =	shalt  }
0x75: {  	_ =	shalt  }
0x76: {  	_ =	shalt  }
0x77: {  	_ =	shalt  }
0x78: {  	_ =	shalt  }
0x79: {  	_ =	shalt  }
0x7a: {  	_ =	shalt  }
0x7b: {  	_ =	shalt  }
0x7c: {  	_ =	shalt  }
0x7d: {  	_ =	shalt  }
0x7e: {  	_ =	shalt  }
0x7f: {  	_ =	shalt  }
0x80: {  	_ =	shalt  }
0x81: {  	_ =	shalt  }
0x82: {  	_ =	shalt  }
0x83: {  	_ =	shalt  }
0x84: {  	_ =	shalt  }
0x85: {  	_ =	shalt  }
0x86: {  	_ =	shalt  }
0x87: {  	_ =	shalt  }
.Lfunc_end0:
.L_simem_size_0:
called_computation_lowered:
.L_overlay_start_0:
0x88: {  	s2 =	sld [smem:$0x3FD9]  }
0x89: {  	s3 =	sld [smem:$0x3FFE];
	_ =	sdelay $0x1  }
0x8a: {  	s1 =	srdreg.scid  }
0x8b: {  	s0 =	sand.u32 $0x1, s1  }
0x8c: {  	s17 =	sshll.u32 s0, $0xA;
	s2 =	sadd.s32 s3, s2  }
0x8d: {  	s2 =	sadd.s32 s2, s17  }
0x8e: {  	[smem:$0x3FC2] =	sst s2  }
0x8f: {  	_ = 	snop  }
0x90: {  	s2 =	sld [smem:$0x3FC8]  }
0x91: {  	s18 =	sld [smem:$0x3FD0];
	(tm) =	ssettm $0x1  }
0x92: {  	s4 =	sld [smem:$0x3FFB];
	_ =	sdelay $0x3  }
0x93: {  	_ =	strace s4  }
0x94: {  	s4 =	sld [smem:$0x3FFC];
	_ =	sdelay $0x3  }
0x95: {  	_ =	strace s4  }
0x96: {  	s4 =	sld [smem:$0x3FFD];
	_ =	sdelay $0x3  }
0x97: {  	_ =	strace s4  }
0x98: {  	_ =	strace $0x8FFFFFFF  }
0x99: {  	s19 =	sld [smem:$0x3FDB];
	_ =	sdelay $0x1  }
0x9a: {  	s5 =	simm.s32 $_scs_section_size  }
0x9b: {  	s6 =	simm.s32 $_size__tile_overlayer_lowered;
	s7 =	simm.s32 $_tile_overlayer_lowered  }
0x9c: {  	s22 =	simm.s32 $0x1BFF;
	s21 =	sshll.u32 s7, $0x1;
	s4 =	sadd.s32 s5, s19  }
0x9d: {  	s8 =	simm.s32 $0x0;
	s20 =	sshll.u32 s6, $0x1;
	s6 =	sadd.s32 s21, s4  }
0x9e: {  	[timem:s8], [sflag:s22] =	dma.local [hbm:s6], s20  }
0x9f: {  	_ =	swait.ge [sflag:s22], s20  }
0xa0: {  	s5 =	ssub.s32 $0x0, s20;
	[sflag:s22] =	ssyncset.done $0x0  }
0xa1: {  	[sflag:s22] =	ssyncadd.s32 s5;
	_ =	sdelay $0x1  }
0xa2: {  	s23 =	simm.s32 $0x1B8B  }
0xa3: {  	_ =	swait.ge [sflag:s23], $0x1  }
0xa4: {  	[sflag:s23] =	ssyncset.done $0x0  }
0xa5: {  	s25 =	simm.s32 $0x1B8E;
	s24 =	sld [smem:$0x3FFE];
	[sflag:s23] =	ssyncadd.s32 $0xFFFFFFFF  }
0xa6: {  	s26 =	simm.s32 $execute0_lowered;
	[smem:$0x3FD2] =	sst s25  }
0xa7: {  	s6 =	sshll.u32 s26, $0x1;
	_ =	strace $0x80000046;
	[dreg:$0x1] =	wrdreg $0xFFFFFFFF  }
0xa8: {  	s28 =	simm.s32 $_size_execute0_lowered;
	s4 =	sadd.s32 s4, s6;
	[dreg:$0x0] =	wrdreg $0x0  }
0xa9: {  	s6 =	sshll.u32 s28, $0x1;
	[dreg:$0x2] =	wrdreg s4  }
0xaa: {  	[dreg:$0x3] =	wrdreg s6  }
0xab: {  	[dreg:$0x4] =	wrdreg $0xC0  }
0xac: {  	_ =	task [dreg:s8], $0x5FFFF  }
0xad: {  	[dreg:$0x1] =	wrdreg $0xFFFFFFFF  }
0xae: {  	[dreg:$0x0] =	wrdreg $0x60  }
0xaf: {  	[dreg:$0x2] =	wrdreg s24  }
0xb0: {  	[dreg:$0x3] =	wrdreg s2  }
0xb1: {  	[dreg:$0x4] =	wrdreg s18  }
0xb2: {  	[dreg:$0x5] =	wrdreg $0x9  }
0xb3: {  	_ =	task.clear_ibuf [dreg:s8], $0x6FFFF;
	_ =	strace $0x90000046  }
0xb4: {  	s29 =	simm.s32 $0x9;
	_ =	strace $0x80000048  }
0xb5: {  	_ =	swait.ge [sflag:s29], $0x1  }
0xb6: {  	[sflag:s29] =	ssyncadd.s32 $0xFFFFFFFF  }
0xb7: {  	_ =	strace $0x90000048  }
0xb8: {  	_ =	sfence  }
0xb9: {  	s30 =	sld [smem:$0x0];
	_ =	sdelay $0x2  }
0xba: {  	s31 =	sshll.u32 s1, $0xD;
	s1 =	sshrl.u32 s1, $0x2  }
0xbb: {  	s3 =	sand.u32 $0x4000, s31;
	s1 =	sadd.s32 s1, s30  }
0xbc: {  	s0 =	sor.u32 s3, s0;
	s1 =	sshll.u32 s1, $0x11  }
0xbd: {  	s0 =	sor.u32 s1, s0  }
0xbe: {  	s0 =	sadd.s32 $0x8F2B, s0  }
0xbf: {  	[sflag:s0] =	ssyncadd.remote.s32 $0x1  }
0xc0: {  	_ =	sfence.sel $0xFFFF  }
0xc1: {  	[dreg:$0x0] =	wrdreg $0xFFFFFFFF;
	(pc) =	sbr.abs _section_cstart, $3  }
0xc2: {  	[dreg:$0x1] =	wrdreg $0xFFFFFFFF  }
0xc3: {  	_ =	task.clear_ibuf [dreg:s8], $0x2FFFF;
	_ =	strace $0x9FFFFFFF  }
0xc4: {  	(tm) =	ssettm $0x7FFFFFFF  }
0xc5: {  	_ =	shalt  }
tec
execute0_lowered:
.L_overlay_start_1:
0x0: {  	(tag) =	ssettag $0x1  }
0x1: {  	s0 =	rddreg [dreg:$0x0]  }
0x2: {  	s1 =	rddreg [dreg:$0x1]  }
0x3: {  	s3 =	rddreg [dreg:$0x2];
	s2 =	simm.s32 $0x0  }
0x4: {  	s4 =	srdreg.scid;
	s5 =	stileid.u32;
	s15 =	simm.s32 $0x7  }
0x5: {  	s16 =	simm.s32 $0x18C00;
	s23 =	simm.s32 $0x1;
	s24 =	simm.s32 $0x2  }
0x6: {  	s28 =	simm.s32 $0x4;
	s29 =	simm.s32 $0x5;
	s30 =	simm.s32 $0x6  }
0x7: {  	s31 =	simm.s32 $0x0;
	[smem:$0x7FF] =	sst s2;
	s4 =	sand.u32 $0x1, s4  }
0x8: {  	s5 =	sshll.u32 s5, $0x1;
	s6 =	sadd.s32 $0x1600, s0;
	_ =	strace $0x80000047  }
0x9: {  	[dreg:$0x4] =	wrdreg s6;
	s5 =	sor.u32 s4, s5;
	s4 =	ssub.s32 $0x2, s4  }
0xa: {  	s25 =	sshll.u32 s5, $0x4;
	s7 =	sshrl.u32 s4, $0x1;
	s8 =	sshll.u32 s5, $0xE  }
0xb: {  	s26 =	sshll.u32 s5, $0x7;
	s0 =	sadd.s32 s25, s0;
	s14 =	ssub.s32 s4, s7  }
.Ltmp0:
0xc: {  	s4 =	sadd.s32 s1, s8;
	s13 =	sadd.s32 s3, s26;
	(pc) =	sbr.rel .LBB2_1-.Ltmp0, $4  }
0xd: {  	s25 =	simm.s32 $0x18C80;
	s26 =	simm.s32 $0x3;
	s0 =	sadd.s32 $0x1400, s0  }
0xe: {  	s6 =	sadd.s32 $0x800, s4;
	s7 =	sadd.s32 $0x1000, s4;
	s8 =	sadd.s32 $0x1800, s4  }
0xf: {  	s9 =	sadd.s32 $0x2000, s4;
	s10 =	sadd.s32 $0x2800, s4;
	s11 =	sadd.s32 $0x3000, s4  }
0x10: {  	v0 =	vimm.f32 $0.0e+00;
	vm0 =	vcmask $0x3F3C;
	s12 =	sadd.s32 $0x3800, s4;
	s14 =	smax.u32 s14, $0x1;
	[dreg:$0x5] =	wrdreg s0  }
.LBB2_37:
0x11: {  	s31 =	sadd.s32 $0x1, s31  }
0x12: {  	p0 =	sne.s32 s31, s14  }
.Ltmp1:
0x13: {  	_ = 	snop;
	(pc) =	sbr.rel @!p0 .LBB2_38-.Ltmp1, $4  }
0x14: {  	[hbm4b:s13+s2] =	stream.linear.scatter [tilespmem:s25], [sflag:$0x7], $0x400, $0x38;
	[tilespmem:$0x19080] =	vst v63  }
0x15: {  	_ =	swait.ge [sflag:s15], $0x400  }
0x16: {  	[sflag:s15] =	ssyncset.done $0x0  }
0x17: {  	[sflag:s15] =	ssyncadd.s32 $0xFFFFFC00  }
.LBB2_1:
0x18: {  	s0 =	rddreg [dreg:$0x4]  }
0x19: {  	[tilespmem:s2], [sflag:$0x7] =	stream.linear.gather [hbm4b:s0+s2], $0xC00, $0x38;
	[tilespmem:$0x19080] =	vst v63  }
0x1a: {  	_ =	swait.ge [sflag:s15], $0xC00  }
0x1b: {  	[sflag:s15] =	ssyncset.done $0x0  }
0x1c: {  	s5 =	rddreg [dreg:$0x5];
	[sflag:s15] =	ssyncadd.s32 $0xFFFFF400  }
0x1d: {  	[tilespmem:s16], [sflag:$0x7] =	stream.linear.gather [hbm4b:s5+s2], $0x80, $0x38;
	[tilespmem:$0x19080] =	vst v63  }
0x1e: {  	_ =	swait.ge [sflag:s15], $0x80  }
0x1f: {  	[sflag:s15] =	ssyncset.done $0x0  }
0x20: {  	[sflag:s15] =	ssyncadd.s32 $0xFFFFFF80  }
0x21: {  	[tilespmem:$0x18C80] =	vst v0  }
0x22: {  	[tilespmem:$0x18C90] =	vst v0  }
0x23: {  	[tilespmem:$0x18CA0] =	vst v0  }
0x24: {  	[tilespmem:$0x18CB0] =	vst v0  }
0x25: {  	[tilespmem:$0x18CC0] =	vst v0  }
0x26: {  	[tilespmem:$0x18CD0] =	vst v0  }
0x27: {  	[tilespmem:$0x18CE0] =	vst v0  }
0x28: {  	[tilespmem:$0x18CF0] =	vst v0  }
0x29: {  	[tilespmem:$0x18D00] =	vst v0  }
0x2a: {  	[tilespmem:$0x18D10] =	vst v0  }
0x2b: {  	[tilespmem:$0x18D20] =	vst v0  }
0x2c: {  	[tilespmem:$0x18D30] =	vst v0  }
0x2d: {  	[tilespmem:$0x18D40] =	vst v0  }
0x2e: {  	[tilespmem:$0x18D50] =	vst v0  }
0x2f: {  	[tilespmem:$0x18D60] =	vst v0  }
0x30: {  	[tilespmem:$0x18D70] =	vst v0  }
0x31: {  	[tilespmem:$0x18D80] =	vst v0  }
0x32: {  	[tilespmem:$0x18D90] =	vst v0  }
0x33: {  	[tilespmem:$0x18DA0] =	vst v0  }
0x34: {  	[tilespmem:$0x18DB0] =	vst v0  }
0x35: {  	[tilespmem:$0x18DC0] =	vst v0  }
0x36: {  	[tilespmem:$0x18DD0] =	vst v0  }
0x37: {  	[tilespmem:$0x18DE0] =	vst v0  }
0x38: {  	[tilespmem:$0x18DF0] =	vst v0  }
0x39: {  	[tilespmem:$0x18E00] =	vst v0  }
0x3a: {  	[tilespmem:$0x18E10] =	vst v0  }
0x3b: {  	[tilespmem:$0x18E20] =	vst v0  }
0x3c: {  	[tilespmem:$0x18E30] =	vst v0  }
0x3d: {  	[tilespmem:$0x18E40] =	vst v0  }
0x3e: {  	[tilespmem:$0x18E50] =	vst v0  }
0x3f: {  	[tilespmem:$0x18E60] =	vst v0  }
0x40: {  	[tilespmem:$0x18E70] =	vst v0  }
0x41: {  	[tilespmem:$0x18E80] =	vst v0  }
0x42: {  	[tilespmem:$0x18E90] =	vst v0  }
0x43: {  	[tilespmem:$0x18EA0] =	vst v0  }
0x44: {  	[tilespmem:$0x18EB0] =	vst v0  }
0x45: {  	[tilespmem:$0x18EC0] =	vst v0  }
0x46: {  	[tilespmem:$0x18ED0] =	vst v0  }
0x47: {  	[tilespmem:$0x18EE0] =	vst v0  }
0x48: {  	[tilespmem:$0x18EF0] =	vst v0  }
0x49: {  	[tilespmem:$0x18F00] =	vst v0  }
0x4a: {  	[tilespmem:$0x18F10] =	vst v0  }
0x4b: {  	[tilespmem:$0x18F20] =	vst v0  }
0x4c: {  	[tilespmem:$0x18F30] =	vst v0  }
0x4d: {  	[tilespmem:$0x18F40] =	vst v0  }
0x4e: {  	[tilespmem:$0x18F50] =	vst v0  }
0x4f: {  	[tilespmem:$0x18F60] =	vst v0  }
0x50: {  	[tilespmem:$0x18F70] =	vst v0  }
0x51: {  	[tilespmem:$0x18F80] =	vst v0  }
0x52: {  	[tilespmem:$0x18F90] =	vst v0  }
0x53: {  	[tilespmem:$0x18FA0] =	vst v0  }
0x54: {  	[tilespmem:$0x18FB0] =	vst v0  }
0x55: {  	[tilespmem:$0x18FC0] =	vst v0  }
0x56: {  	[tilespmem:$0x18FD0] =	vst v0  }
0x57: {  	[tilespmem:$0x18FE0] =	vst v0  }
0x58: {  	[tilespmem:$0x18FF0] =	vst v0  }
0x59: {  	[tilespmem:$0x19000] =	vst v0  }
0x5a: {  	[tilespmem:$0x19010] =	vst v0  }
0x5b: {  	[tilespmem:$0x19020] =	vst v0  }
0x5c: {  	[tilespmem:$0x19030] =	vst v0  }
0x5d: {  	[tilespmem:$0x19040] =	vst v0  }
0x5e: {  	[tilespmem:$0x19050] =	vst v0  }
0x5f: {  	[tilespmem:$0x19060] =	vst v0  }
0x60: {  	s17 =	simm.s32 $0xC00;
	[tilespmem:$0x19070] =	vst v0  }
0x61: {  	[tilespmem:s17], [sflag:$0x1] =	stream.linear.gather [hbm4b:s4+s2], $0x4000, $0x38;
	[tilespmem:$0x19080] =	vst v63  }
0x62: {  	s18 =	simm.s32 $0x4C00  }
0x63: {  	[tilespmem:s18], [sflag:$0x2] =	stream.linear.gather [hbm4b:s6+s2], $0x4000, $0x38;
	[tilespmem:$0x19080] =	vst v63  }
0x64: {  	s19 =	simm.s32 $0x8C00  }
0x65: {  	[tilespmem:s19], [sflag:$0x3] =	stream.linear.gather [hbm4b:s7+s2], $0x4000, $0x38;
	[tilespmem:$0x19080] =	vst v63  }
0x66: {  	s20 =	simm.s32 $0xCC00  }
0x67: {  	[tilespmem:s20], [sflag:$0x4] =	stream.linear.gather [hbm4b:s8+s2], $0x4000, $0x38;
	[tilespmem:$0x19080] =	vst v63  }
0x68: {  	s21 =	simm.s32 $0x10C00  }
0x69: {  	[tilespmem:s21], [sflag:$0x5] =	stream.linear.gather [hbm4b:s9+s2], $0x4000, $0x38;
	[tilespmem:$0x19080] =	vst v63  }
0x6a: {  	s22 =	simm.s32 $0x14C00  }
0x6b: {  	[tilespmem:s22], [sflag:$0x6] =	stream.linear.gather [hbm4b:s10+s2], $0x4000, $0x38;
	[tilespmem:$0x19080] =	vst v63  }
0x6c: {  	_ =	swait.ge [sflag:s23], $0x4000  }
.Ltmp2:
0x6d: {  	[sflag:s23] =	ssyncset.done $0x0;
	(pc) =	sbr.rel .LBB2_2-.Ltmp2, $4  }
0x6e: {  	[sflag:s23] =	ssyncadd.s32 $0xFFFFC000  }
0x6f: {  	_ =	swait.ge [sflag:s24], $0x4000  }
0x70: {  	[sflag:s24] =	ssyncset.done $0x0  }
0x71: {  	s0 =	simm.s32 $0x0;
	[sflag:s24] =	ssyncadd.s32 $0xFFFFC000  }
.LBB2_9:
0x72: {  	s0 =	sadd.s32 $0x1, s0  }
0x73: {  	p0 =	sne.s32 s0, $0x10  }
.Ltmp3:
0x74: {  	_ = 	snop;
	(pc) =	sbr.rel @!p0 .LBB2_10-.Ltmp3, $1  }
0x75: {  	_ =	sdelay $0x3  }
.LBB2_2:
0x76: {  	v1 =	vmov s0  }
0x77: {  	v2 =	vadd.s32 $0x1, v1;
	_ =	sdelay $0x3  }
0x78: {  	v1 =	vld.idx.msk [tilespmem:v1+s16+$0x0], $0xffff  }
0x79: {  	v2 =	vld.idx.msk [tilespmem:v2+s16+$0x0], $0xffff;
	_ =	sdelay $0x3  }
0x7a: {  	(v2sf) =	vpush v1, $0x0  }
0x7b: {  	(v2sf) =	vpush v2, $0x0;
	_ =	sdelay $0xd  }
0x7c: {  	s20 =	spop (v2sf)  }
0x7d: {  	s1 =	spop (v2sf)  }
0x7e: {  	p0 =	sgt.s32 s20, $0x0;
	p1 =	slt.s32 s1, $0x100  }
0x7f: {  	s20 =	simm.s32 @!p0 $0x0;
	s1 =	simm.s32 @!p1 $0x100  }
0x80: {  	p0 =	sgt.s32 s20, s1  }
0x81: {  	s1 =	smov.u32 @p0 s20  }
0x82: {  	s19 =	ssub.s32 s1, s20  }
0x83: {  	s17 =	sshra.s32 s19, $0x1F  }
0x84: {  	s3 =	sshll.u32 s0, $0x7;
	s17 =	sshrl.u32 s17, $0x1E  }
0x85: {  	s3 =	sand.u32 $0x3FFFFF80, s3;
	s17 =	sadd.s32 s17, s19  }
0x86: {  	v3 =	vld [tilespmem:s3+$0x20];
	s21 =	sand.u32 $0xFFFFFFFC, s17  }
0x87: {  	v4 =	vld [tilespmem:s3+$0x30];
	s22 =	sadd.s32 s20, s21  }
0x88: {  	v5 =	vld [tilespmem:s3+$0x40];
	p0 =	sge.s32 s20, s22  }
.Ltmp4:
0x89: {  	v6 =	vld [tilespmem:s3+$0x50];
	(pc) =	sbr.rel @p0 .LBB2_6-.Ltmp4, $4  }
0x8a: {  	v7 =	vld [tilespmem:s3+$0x60]  }
0x8b: {  	v8 =	vld [tilespmem:s3+$0x70]  }
0x8c: {  	v1 =	vld [tilespmem:s3+$0x0]  }
0x8d: {  	v2 =	vld [tilespmem:s3+$0x10]  }
0x8e: {  	s3 =	sshll.u32 s20, $0x9  }
0x8f: {  	s3 =	sshra.s32 s3, $0x2  }
0x90: {  	s3 =	sadd.s32 $0xD00, s3  }
0x91: {  	v9 =	vld [tilespmem:s3+$0x80]  }
0x92: {  	v10 =	vld [tilespmem:s3+$0x90]  }
0x93: {  	v11 =	vld [tilespmem:s3+$0xA0]  }
0x94: {  	v12 =	vld [tilespmem:s3+$0xB0]  }
0x95: {  	v13 =	vld [tilespmem:s3+$0xC0]  }
0x96: {  	v14 =	vld [tilespmem:s3+$0xD0]  }
0x97: {  	v15 =	vld [tilespmem:s3+$0xE0]  }
0x98: {  	v16 =	vld [tilespmem:s3+$0xF0]  }
0x99: {  	v17 =	vld [tilespmem:s3+$0xFFFFFF10]  }
0x9a: {  	v18 =	vld [tilespmem:s3+$0xFFFFFF20];
	v9 =	vmul.f32 v9, v1;
	v10 =	vmul.f32 v10, v2  }
0x9b: {  	v19 =	vld [tilespmem:s3+$0xFFFFFF30];
	v11 =	vmul.f32 v11, v3;
	v12 =	vmul.f32 v12, v4  }
0x9c: {  	v20 =	vld [tilespmem:s3+$0xFFFFFF40];
	v13 =	vmul.f32 v13, v5;
	v14 =	vmul.f32 v14, v6  }
0x9d: {  	v21 =	vld [tilespmem:s3+$0xFFFFFF50];
	v15 =	vmul.f32 v15, v7;
	v16 =	vmul.f32 v16, v8  }
0x9e: {  	v22 =	vld [tilespmem:s3+$0xFFFFFF60];
	v9 =	vadd.f32 v13, v9;
	v10 =	vadd.f32 v14, v10  }
0x9f: {  	v23 =	vld [tilespmem:s3+$0xFFFFFFF0];
	v11 =	vadd.f32 v15, v11;
	v12 =	vadd.f32 v16, v12  }
0xa0: {  	v13 =	vld [tilespmem:s3+$0xFFFFFF70]  }
0xa1: {  	v14 =	vld [tilespmem:s3+$0xFFFFFF80];
	v9 =	vadd.f32 v10, v9;
	v10 =	vadd.f32 v12, v11  }
0xa2: {  	v15 =	vld [tilespmem:s3+$0xFFFFFF90]  }
0xa3: {  	v16 =	vld [tilespmem:s3+$0xFFFFFFD0];
	v9 =	vadd.f32 v10, v9  }
0xa4: {  	v11 =	vld [tilespmem:s3+$0xFFFFFFA0]  }
0xa5: {  	v18 =	vmul.f32 v18, v3;
	v12 =	vld [tilespmem:s3+$0xFFFFFFB0];
	(xrf2) =	vadd.scan.msk.f32 $0xffff, v9  }
0xa6: {  	v22 =	vmul.f32 v22, v7;
	v19 =	vmul.f32 v19, v4;
	v10 =	vld [tilespmem:s3+$0xFFFFFFC0]  }
0xa7: {  	v9 =	vmul.f32 v17, v2;
	v17 =	vmul.f32 v21, v6;
	v21 =	vld [tilespmem:s3+$0xFFFFFFE0]  }
0xa8: {  	s17 =	sadd.s32 $0x3, s20;
	v24 =	vld [tilespmem:s3+$0x10];
	v18 =	vadd.f32 v22, v18;
	v13 =	vmul.f32 v13, v8;
	v22 =	vmul.f32 v14, v1  }
0xa9: {  	v28 =	vmov s17;
	v25 =	vld [tilespmem:s3+$0x20];
	v15 =	vmul.f32 v15, v2;
	v16 =	vmul.f32 v16, v6  }
0xaa: {  	s17 =	sadd.s32 $0x4, s20;
	v13 =	vadd.f32 v13, v19;
	v19 =	vmul.f32 v11, v3;
	v9 =	vadd.f32 v17, v9;
	v17 =	vld [tilespmem:s3+$0x0]  }
0xab: {  	p0 =	slt.s32 s17, s22;
	v27 =	vld [tilespmem:s3+$0x30];
	v12 =	vmul.f32 v12, v4;
	v26 =	vmul.f32 v10, v5  }
.Ltmp5:
0xac: {  	v14 =	vld [tilespmem:s3+$0x40];
	v11 =	vadd.f32 v13, v18;
	v18 =	vmul.f32 v23, v8;
	v13 =	vmul.f32 v21, v7;
	(pc) =	sbr.rel @!p0 .LBB2_5-.Ltmp5, $4  }
0xad: {  	v16 =	vadd.f32 v16, v15;
	v15 =	vld [tilespmem:s3+$0x50];
	v10 =	vmul.f32 v20, v5;
	v20 =	vadd.f32 v26, v22  }
0xae: {  	v22 =	vadd.f32 v18, v12;
	v18 =	vld [tilespmem:s3+$0x60];
	v12 =	vmul.f32 v25, v3;
	v19 =	vadd.f32 v13, v19  }
0xaf: {  	v13 =	vmul.f32 v17, v1;
	v17 =	vadd.f32 v16, v20;
	v16 =	vmul.f32 v24, v2;
	v20 =	vld [tilespmem:s3+$0x70];
	v23, _, _ =	vpop (xrf2)  }
0xb0: {  	s18 =	sadd.s32 $0x200, s3;
	v21 =	vld [tilespmem:s3+$0xFFFFFF00];
	v22 =	vadd.f32 v22, v19;
	v19 =	vmul.f32 v27, v4;
	[tilespmem:v28+s25+$0x0] =	vst.idx.msk vm0, v23  }
.LBB2_4:
0xb1: {  	v23 =	vld [tilespmem:s18+$0x80];
	v14 =	vmul.f32 v14, v5;
	s3 =	smov.u32 s17  }
0xb2: {  	v24 =	vld [tilespmem:s18+$0x90];
	v17 =	vadd.f32 v22, v17;
	v15 =	vmul.f32 v15, v6  }
0xb3: {  	v22 =	vld [tilespmem:s18+$0xA0];
	v13 =	vadd.f32 v14, v13;
	v14 =	vmul.f32 v18, v7  }
0xb4: {  	v18 =	vld [tilespmem:s18+$0xB0];
	v15 =	vadd.f32 v15, v16;
	v16 =	vmul.f32 v20, v8;
	(xrf2) =	vadd.scan.msk.f32 $0xffff, v17  }
0xb5: {  	v17 =	vld [tilespmem:s18+$0xC0];
	v20 =	vmul.f32 v21, v1;
	v12 =	vadd.f32 v14, v12  }
0xb6: {  	v14 =	vld [tilespmem:s18+$0xD0];
	v16 =	vadd.f32 v16, v19;
	v13 =	vadd.f32 v15, v13  }
0xb7: {  	v15 =	vld [tilespmem:s18+$0xE0];
	v10 =	vadd.f32 v10, v20  }
0xb8: {  	s17 =	sadd.s32 $0x4, s17;
	s5 =	sadd.s32 $0x1, s20;
	v19 =	vld [tilespmem:s18+$0xF0];
	v12 =	vadd.f32 v16, v12  }
0xb9: {  	p0 =	slt.s32 s17, s22;
	v16 =	vld [tilespmem:s18+$0xFFFFFF10];
	v9 =	vadd.f32 v9, v10;
	v10 =	vmov s5  }
0xba: {  	v21 =	vmul.f32 v23, v1;
	v23 =	vmul.f32 v24, v2;
	v20 =	vld [tilespmem:s18+$0xFFFFFF20];
	v12 =	vadd.f32 v12, v13  }
0xbb: {  	v22 =	vmul.f32 v22, v3;
	v18 =	vmul.f32 v18, v4;
	v13 =	vld [tilespmem:s18+$0xFFFFFF30];
	v9 =	vadd.f32 v11, v9  }
0xbc: {  	v17 =	vmul.f32 v17, v5;
	v14 =	vmul.f32 v14, v6;
	v11 =	vld [tilespmem:s18+$0xFFFFFF40]  }
0xbd: {  	v15 =	vmul.f32 v15, v7;
	v24 =	vld [tilespmem:s18+$0xFFFFFF50];
	v19 =	vmul.f32 v19, v8;
	(xrf2) =	vadd.scan.msk.f32 $0xffff, v9  }
0xbe: {  	v17 =	vadd.f32 v17, v21;
	v14 =	vadd.f32 v14, v23;
	v9 =	vmul.f32 v16, v2;
	v16 =	vld [tilespmem:s18+$0xFFFFFF60];
	v21, _, _ =	vpop (xrf2)  }
0xbf: {  	v15 =	vadd.f32 v15, v22;
	v20 =	vmul.f32 v20, v3;
	v23 =	vld [tilespmem:s18+$0xFFFFFF70];
	v18 =	vadd.f32 v19, v18  }
0xc0: {  	v13 =	vmul.f32 v13, v4;
	v19 =	vld [tilespmem:s18+$0xFFFFFF80];
	[tilespmem:v10+s25+$0x0] =	vst.idx.msk vm0, v21;
	(xrf2) =	vadd.scan.msk.f32 $0xffff, v12  }
0xc1: {  	v12 =	vadd.f32 v14, v17;
	v10 =	vmul.f32 v11, v5;
	v11 =	vld [tilespmem:s18+$0xFFFFFF90];
	v14 =	vadd.f32 v18, v15  }
0xc2: {  	v15 =	vmul.f32 v24, v6;
	v17 =	vld [tilespmem:s18+$0xFFFFFFA0]  }
0xc3: {  	v16 =	vmul.f32 v16, v7;
	v18 =	vld [tilespmem:s18+$0xFFFFFFB0];
	v12 =	vadd.f32 v14, v12;
	v14 =	vmov s20  }
0xc4: {  	v9 =	vadd.f32 v15, v9;
	v15 =	vmul.f32 v23, v8;
	v21 =	vld [tilespmem:s18+$0xFFFFFFC0]  }
0xc5: {  	s5 =	sadd.s32 $0x2, s20;
	s20 =	smov.u32 s3;
	v16 =	vadd.f32 v16, v20;
	v19 =	vmul.f32 v19, v1;
	v20 =	vld [tilespmem:s18+$0xFFFFFFD0];
	(xrf2) =	vadd.scan.msk.f32 $0xffff, v12  }
0xc6: {  	v22 =	vmov s5;
	v12 =	vadd.f32 v15, v13;
	v13 =	vmul.f32 v11, v2;
	v15 =	vld [tilespmem:s18+$0xFFFFFFE0]  }
0xc7: {  	v17 =	vmul.f32 v17, v3;
	v23 =	vld [tilespmem:s18+$0xFFFFFFF0];
	v24, _, _ =	vpop (xrf2)  }
0xc8: {  	v11 =	vadd.f32 v12, v16;
	v12 =	vmul.f32 v18, v4;
	v16 =	vld [tilespmem:s18+$0x0];
	[tilespmem:v14+s25+$0x0] =	vst.idx.msk vm0, v24  }
0xc9: {  	v14 =	vmul.f32 v21, v5;
	v18 =	vld [tilespmem:s18+$0x10]  }
0xca: {  	s3 =	sadd.s32 $0x3, s20;
	v20 =	vmul.f32 v20, v6;
	v21 =	vld [tilespmem:s18+$0x20];
	v24, _, _ =	vpop (xrf2)  }
0xcb: {  	v26 =	vmov s3;
	v19 =	vadd.f32 v14, v19;
	v15 =	vmul.f32 v15, v7;
	v25 =	vld [tilespmem:s18+$0x30];
	[tilespmem:v22+s25+$0x0] =	vst.idx.msk vm0, v24  }
.Ltmp6:
0xcc: {  	v20 =	vadd.f32 v20, v13;
	v22 =	vmul.f32 v23, v8;
	v14 =	vld [tilespmem:s18+$0x40];
	(pc) =	sbr.rel @p0 .LBB2_4-.Ltmp6, $4  }
0xcd: {  	v23 =	vadd.f32 v15, v17;
	v13 =	vmul.f32 v16, v1;
	v15 =	vld [tilespmem:s18+$0x50]  }
0xce: {  	v22 =	vadd.f32 v22, v12;
	v17 =	vadd.f32 v20, v19;
	v16 =	vmul.f32 v18, v2;
	v18 =	vld [tilespmem:s18+$0x60]  }
0xcf: {  	v12 =	vmul.f32 v21, v3;
	v20 =	vld [tilespmem:s18+$0x70];
	v24, _, _ =	vpop (xrf2)  }
0xd0: {  	v21 =	vld [tilespmem:s18+$0xFFFFFF00];
	v22 =	vadd.f32 v22, v23;
	v19 =	vmul.f32 v25, v4;
	[tilespmem:v26+s25+$0x0] =	vst.idx.msk vm0, v24;
	s18 =	sadd.s32 $0x200, s18  }
.LBB2_5:
0xd1: {  	_ =	sdelay $0x2  }
0xd2: {  	v14 =	vmul.f32 v14, v5  }
0xd3: {  	v15 =	vmul.f32 v15, v6;
	v21 =	vmul.f32 v21, v1  }
0xd4: {  	v13 =	vadd.f32 v14, v13;
	v59 =	vmul.f32 v18, v7;
	v60 =	vmul.f32 v20, v8  }
0xd5: {  	v15 =	vadd.f32 v15, v16;
	v10 =	vadd.f32 v10, v21  }
0xd6: {  	v12 =	vadd.f32 v59, v12;
	v61 =	vadd.f32 v60, v19  }
0xd7: {  	v62 =	vadd.f32 v22, v17;
	v9 =	vadd.f32 v9, v10  }
0xd8: {  	v12 =	vadd.f32 v61, v12;
	v10 =	vadd.f32 v15, v13  }
0xd9: {  	v9 =	vadd.f32 v11, v9  }
0xda: {  	(xrf2) =	vadd.scan.msk.f32 $0xffff, v62;
	v10 =	vadd.f32 v12, v10  }
0xdb: {  	(xrf2) =	vadd.scan.msk.f32 $0xffff, v9  }
0xdc: {  	(xrf2) =	vadd.scan.msk.f32 $0xffff, v10;
	_ =	sdelay $0x2  }
0xdd: {  	s3 =	sadd.s32 $0x1, s20  }
0xde: {  	v9 =	vmov s3  }
0xdf: {  	v10 =	vmov s20;
	s20 =	sadd.s32 $0x2, s20  }
0xe0: {  	v11 =	vmov s20;
	_ =	sdelay $0x1  }
0xe1: {  	v63, _, _ =	vpop (xrf2)  }
0xe2: {  	[tilespmem:v9+s25+$0x0] =	vst.idx.msk vm0, v63;
	v9, _, _ =	vpop (xrf2)  }
0xe3: {  	[tilespmem:v10+s25+$0x0] =	vst.idx.msk vm0, v9;
	v9, _, _ =	vpop (xrf2)  }
0xe4: {  	[tilespmem:v11+s25+$0x0] =	vst.idx.msk vm0, v9  }
.LBB2_6:
0xe5: {  	p0 =	sge.s32 s22, s1  }
.Ltmp7:
0xe6: {  	_ = 	snop;
	(pc) =	sbr.rel @p0 .LBB2_9-.Ltmp7, $1  }
0xe7: {  	_ =	sdelay $0x3  }
0xe8: {  	s3 =	ssub.s32 s19, s21  }
0xe9: {  	s17 =	sshll.u32 s1, $0x9;
	s18 =	sshll.u32 s3, $0x9  }
0xea: {  	s17 =	ssub.s32 s17, s18  }
0xeb: {  	s17 =	sshra.s32 s17, $0x2  }
0xec: {  	s3 =	ssub.s32 $0x0, s3;
	s17 =	sadd.s32 $0xC40, s17  }
.LBB2_8:
0xed: {  	v9 =	vld [tilespmem:s17+$0xFFFFFFC0]  }
0xee: {  	v10 =	vld [tilespmem:s17+$0xFFFFFFD0]  }
0xef: {  	v11 =	vld [tilespmem:s17+$0xFFFFFFE0]  }
0xf0: {  	v12 =	vld [tilespmem:s17+$0xFFFFFFF0]  }
0xf1: {  	v13 =	vld [tilespmem:s17+$0x0]  }
0xf2: {  	v14 =	vld [tilespmem:s17+$0x10]  }
0xf3: {  	v15 =	vld [tilespmem:s17+$0x20]  }
0xf4: {  	v16 =	vld [tilespmem:s17+$0x30];
	_ =	sdelay $0x1  }
0xf5: {  	v9 =	vmul.f32 v9, v1;
	v10 =	vmul.f32 v10, v2  }
0xf6: {  	v11 =	vmul.f32 v11, v3;
	v12 =	vmul.f32 v12, v4  }
0xf7: {  	v13 =	vmul.f32 v13, v5;
	v14 =	vmul.f32 v14, v6  }
0xf8: {  	v15 =	vmul.f32 v15, v7;
	v16 =	vmul.f32 v16, v8  }
0xf9: {  	v9 =	vadd.f32 v13, v9;
	v10 =	vadd.f32 v14, v10  }
0xfa: {  	v11 =	vadd.f32 v15, v11;
	v12 =	vadd.f32 v16, v12;
	_ =	sdelay $0x1  }
0xfb: {  	v9 =	vadd.f32 v10, v9;
	v10 =	vadd.f32 v12, v11;
	_ =	sdelay $0x1  }
0xfc: {  	v9 =	vadd.f32 v10, v9;
	_ =	sdelay $0x1  }
0xfd: {  	(xrf2) =	vadd.scan.msk.f32 $0xffff, v9;
	_ =	sdelay $0x4  }
0xfe: {  	s5 =	sadd.s32 s3, s1;
	s3 =	sadd.s32 $0x1, s3  }
0xff: {  	p0 =	seq.s32 s3, $0x0;
	v9 =	vmov s5  }
.Ltmp8:
0x100: {  	_ = 	snop;
	(pc) =	sbr.rel @!p0 .LBB2_8-.Ltmp8, $3  }
0x101: {  	_ =	sdelay $0x1  }
0x102: {  	v10, _, _ =	vpop (xrf2)  }
0x103: {  	s17 =	sadd.s32 $0x80, s17;
	[tilespmem:v9+s25+$0x0] =	vst.idx.msk vm0, v10  }
.Ltmp9:
0x104: {  	_ = 	snop;
	(pc) =	sbr.rel .LBB2_9-.Ltmp9, $1  }
0x105: {  	_ =	sdelay $0x3  }
.LBB2_10:
0x106: {  	s0 =	simm.s32 $0x0;
	s1 =	simm.s32 $0xC00  }
0x107: {  	[tilespmem:s1], [sflag:$0x1] =	stream.linear.gather [hbm4b:s11+s0], $0x4000, $0x38;
	[tilespmem:$0x19080] =	vst v63  }
0x108: {  	s22 =	simm.s32 $0x4C00  }
0x109: {  	[tilespmem:s22], [sflag:$0x2] =	stream.linear.gather [hbm4b:s12+s0], $0x4000, $0x38;
	[tilespmem:$0x19080] =	vst v63  }
0x10a: {  	_ =	swait.ge [sflag:s26], $0x4000  }
.Ltmp10:
0x10b: {  	[sflag:s26] =	ssyncset.done $0x0;
	(pc) =	sbr.rel .LBB2_11-.Ltmp10, $4  }
0x10c: {  	[sflag:s26] =	ssyncadd.s32 $0xFFFFC000  }
0x10d: {  	_ =	swait.ge [sflag:s28], $0x4000  }
0x10e: {  	[sflag:s28] =	ssyncset.done $0x0  }
0x10f: {  	[sflag:s28] =	ssyncadd.s32 $0xFFFFC000  }
.LBB2_18:
0x110: {  	s0 =	sadd.s32 $0x1, s0  }
0x111: {  	p0 =	sne.s32 s0, $0x10  }
.Ltmp11:
0x112: {  	_ = 	snop;
	(pc) =	sbr.rel @!p0 .LBB2_19-.Ltmp11, $1  }
0x113: {  	_ =	sdelay $0x3  }
.LBB2_11:
0x114: {  	v1 =	vmov s0  }
0x115: {  	v2 =	vadd.s32 $0x1, v1;
	_ =	sdelay $0x3  }
0x116: {  	v1 =	vld.idx.msk [tilespmem:v1+s16+$0x0], $0xffff  }
0x117: {  	v2 =	vld.idx.msk [tilespmem:v2+s16+$0x0], $0xffff;
	_ =	sdelay $0x3  }
0x118: {  	(v2sf) =	vpush v1, $0x0  }
0x119: {  	(v2sf) =	vpush v2, $0x0;
	_ =	sdelay $0xd  }
0x11a: {  	s20 =	spop (v2sf)  }
0x11b: {  	s1 =	spop (v2sf)  }
0x11c: {  	p0 =	sgt.s32 s20, $0x100;
	p1 =	slt.s32 s1, $0x200  }
0x11d: {  	s20 =	simm.s32 @!p0 $0x100;
	s1 =	simm.s32 @!p1 $0x200  }
0x11e: {  	p0 =	sgt.s32 s20, s1  }
0x11f: {  	s1 =	smov.u32 @p0 s20  }
0x120: {  	s19 =	ssub.s32 s1, s20  }
0x121: {  	s5 =	sshra.s32 s19, $0x1F  }
0x122: {  	s3 =	sshll.u32 s0, $0x7;
	s5 =	sshrl.u32 s5, $0x1E  }
0x123: {  	s3 =	sand.u32 $0x3FFFFF80, s3;
	s5 =	sadd.s32 s5, s19  }
0x124: {  	v3 =	vld [tilespmem:s3+$0x20];
	s21 =	sand.u32 $0xFFFFFFFC, s5  }
0x125: {  	v4 =	vld [tilespmem:s3+$0x30];
	s22 =	sadd.s32 s20, s21  }
0x126: {  	v5 =	vld [tilespmem:s3+$0x40];
	p0 =	sge.s32 s20, s22  }
.Ltmp12:
0x127: {  	v6 =	vld [tilespmem:s3+$0x50];
	(pc) =	sbr.rel @p0 .LBB2_15-.Ltmp12, $4  }
0x128: {  	v7 =	vld [tilespmem:s3+$0x60]  }
0x129: {  	v8 =	vld [tilespmem:s3+$0x70]  }
0x12a: {  	v1 =	vld [tilespmem:s3+$0x0]  }
0x12b: {  	v2 =	vld [tilespmem:s3+$0x10]  }
0x12c: {  	s3 =	sshll.u32 s20, $0x9  }
0x12d: {  	s3 =	sshra.s32 s3, $0x2  }
0x12e: {  	s3 =	sadd.s32 $0xC00, s3  }
0x12f: {  	v9 =	vld [tilespmem:s3+$0x180]  }
0x130: {  	v10 =	vld [tilespmem:s3+$0x190]  }
0x131: {  	v11 =	vld [tilespmem:s3+$0x1A0]  }
0x132: {  	v12 =	vld [tilespmem:s3+$0x1B0]  }
0x133: {  	v13 =	vld [tilespmem:s3+$0x1C0]  }
0x134: {  	v14 =	vld [tilespmem:s3+$0x1D0]  }
0x135: {  	v15 =	vld [tilespmem:s3+$0x1E0]  }
0x136: {  	v16 =	vld [tilespmem:s3+$0x1F0]  }
0x137: {  	v17 =	vld [tilespmem:s3+$0x10]  }
0x138: {  	v18 =	vld [tilespmem:s3+$0x20];
	v9 =	vmul.f32 v9, v1;
	v10 =	vmul.f32 v10, v2  }
0x139: {  	v19 =	vld [tilespmem:s3+$0x30];
	v11 =	vmul.f32 v11, v3;
	v12 =	vmul.f32 v12, v4  }
0x13a: {  	v20 =	vld [tilespmem:s3+$0x40];
	v13 =	vmul.f32 v13, v5;
	v14 =	vmul.f32 v14, v6  }
0x13b: {  	v21 =	vld [tilespmem:s3+$0x50];
	v15 =	vmul.f32 v15, v7;
	v16 =	vmul.f32 v16, v8  }
0x13c: {  	v22 =	vld [tilespmem:s3+$0x60];
	v9 =	vadd.f32 v13, v9;
	v10 =	vadd.f32 v14, v10  }
0x13d: {  	v23 =	vld [tilespmem:s3+$0xF0];
	v11 =	vadd.f32 v15, v11;
	v12 =	vadd.f32 v16, v12  }
0x13e: {  	v13 =	vld [tilespmem:s3+$0x70]  }
0x13f: {  	v14 =	vld [tilespmem:s3+$0x80];
	v9 =	vadd.f32 v10, v9;
	v10 =	vadd.f32 v12, v11  }
0x140: {  	v15 =	vld [tilespmem:s3+$0x90]  }
0x141: {  	v16 =	vld [tilespmem:s3+$0xD0];
	v9 =	vadd.f32 v10, v9  }
0x142: {  	v11 =	vld [tilespmem:s3+$0xA0]  }
0x143: {  	v18 =	vmul.f32 v18, v3;
	v12 =	vld [tilespmem:s3+$0xB0];
	(xrf2) =	vadd.scan.msk.f32 $0xffff, v9  }
0x144: {  	v22 =	vmul.f32 v22, v7;
	v19 =	vmul.f32 v19, v4;
	v10 =	vld [tilespmem:s3+$0xC0]  }
0x145: {  	v9 =	vmul.f32 v17, v2;
	v17 =	vmul.f32 v21, v6;
	v21 =	vld [tilespmem:s3+$0xE0]  }
0x146: {  	v24 =	vld [tilespmem:s3+$0x110];
	v18 =	vadd.f32 v22, v18;
	v13 =	vmul.f32 v13, v8;
	v22 =	vmul.f32 v14, v1  }
0x147: {  	v25 =	vld [tilespmem:s3+$0x120];
	v15 =	vmul.f32 v15, v2;
	v16 =	vmul.f32 v16, v6  }
0x148: {  	s5 =	sadd.s32 $0x3, s20;
	s17 =	sadd.s32 $0x4, s20;
	v13 =	vadd.f32 v13, v19;
	v19 =	vmul.f32 v11, v3;
	v9 =	vadd.f32 v17, v9;
	v17 =	vld [tilespmem:s3+$0x100]  }
0x149: {  	v28 =	vmov s5;
	p0 =	slt.s32 s17, s22;
	v27 =	vld [tilespmem:s3+$0x130];
	v12 =	vmul.f32 v12, v4;
	v26 =	vmul.f32 v10, v5  }
.Ltmp13:
0x14a: {  	v14 =	vld [tilespmem:s3+$0x140];
	v11 =	vadd.f32 v13, v18;
	v18 =	vmul.f32 v23, v8;
	v13 =	vmul.f32 v21, v7;
	(pc) =	sbr.rel @!p0 .LBB2_14-.Ltmp13, $4  }
0x14b: {  	v16 =	vadd.f32 v16, v15;
	v15 =	vld [tilespmem:s3+$0x150];
	v10 =	vmul.f32 v20, v5;
	v20 =	vadd.f32 v26, v22  }
0x14c: {  	v22 =	vadd.f32 v18, v12;
	v18 =	vld [tilespmem:s3+$0x160];
	v12 =	vmul.f32 v25, v3;
	v19 =	vadd.f32 v13, v19  }
0x14d: {  	v13 =	vmul.f32 v17, v1;
	v17 =	vadd.f32 v16, v20;
	v16 =	vmul.f32 v24, v2;
	v20 =	vld [tilespmem:s3+$0x170];
	v23, _, _ =	vpop (xrf2)  }
0x14e: {  	s18 =	sadd.s32 $0x200, s3;
	v21 =	vld [tilespmem:s3+$0x0];
	v22 =	vadd.f32 v22, v19;
	v19 =	vmul.f32 v27, v4;
	[tilespmem:v28+s25+$0x0] =	vst.idx.msk vm0, v23  }
.LBB2_13:
0x14f: {  	v23 =	vld [tilespmem:s18+$0x180];
	v14 =	vmul.f32 v14, v5;
	s3 =	smov.u32 s17  }
0x150: {  	v24 =	vld [tilespmem:s18+$0x190];
	v17 =	vadd.f32 v22, v17;
	v15 =	vmul.f32 v15, v6  }
0x151: {  	v22 =	vld [tilespmem:s18+$0x1A0];
	v13 =	vadd.f32 v14, v13;
	v14 =	vmul.f32 v18, v7  }
0x152: {  	v18 =	vld [tilespmem:s18+$0x1B0];
	v15 =	vadd.f32 v15, v16;
	v16 =	vmul.f32 v20, v8;
	(xrf2) =	vadd.scan.msk.f32 $0xffff, v17  }
0x153: {  	v17 =	vld [tilespmem:s18+$0x1C0];
	v20 =	vmul.f32 v21, v1;
	v12 =	vadd.f32 v14, v12  }
0x154: {  	v14 =	vld [tilespmem:s18+$0x1D0];
	v16 =	vadd.f32 v16, v19;
	v13 =	vadd.f32 v15, v13  }
0x155: {  	v15 =	vld [tilespmem:s18+$0x1E0];
	v10 =	vadd.f32 v10, v20  }
0x156: {  	s17 =	sadd.s32 $0x4, s17;
	s5 =	sadd.s32 $0x1, s20;
	v19 =	vld [tilespmem:s18+$0x1F0];
	v12 =	vadd.f32 v16, v12  }
0x157: {  	p0 =	slt.s32 s17, s22;
	v16 =	vld [tilespmem:s18+$0x10];
	v9 =	vadd.f32 v9, v10;
	v10 =	vmov s5  }
0x158: {  	v21 =	vmul.f32 v23, v1;
	v23 =	vmul.f32 v24, v2;
	v20 =	vld [tilespmem:s18+$0x20];
	v12 =	vadd.f32 v12, v13  }
0x159: {  	v22 =	vmul.f32 v22, v3;
	v18 =	vmul.f32 v18, v4;
	v13 =	vld [tilespmem:s18+$0x30];
	v9 =	vadd.f32 v11, v9  }
0x15a: {  	v17 =	vmul.f32 v17, v5;
	v14 =	vmul.f32 v14, v6;
	v11 =	vld [tilespmem:s18+$0x40]  }
0x15b: {  	v15 =	vmul.f32 v15, v7;
	v24 =	vld [tilespmem:s18+$0x50];
	v19 =	vmul.f32 v19, v8;
	(xrf2) =	vadd.scan.msk.f32 $0xffff, v9  }
0x15c: {  	v17 =	vadd.f32 v17, v21;
	v14 =	vadd.f32 v14, v23;
	v9 =	vmul.f32 v16, v2;
	v16 =	vld [tilespmem:s18+$0x60];
	v21, _, _ =	vpop (xrf2)  }
0x15d: {  	v15 =	vadd.f32 v15, v22;
	v20 =	vmul.f32 v20, v3;
	v23 =	vld [tilespmem:s18+$0x70];
	v18 =	vadd.f32 v19, v18  }
0x15e: {  	v13 =	vmul.f32 v13, v4;
	v19 =	vld [tilespmem:s18+$0x80];
	[tilespmem:v10+s25+$0x0] =	vst.idx.msk vm0, v21;
	(xrf2) =	vadd.scan.msk.f32 $0xffff, v12  }
0x15f: {  	v12 =	vadd.f32 v14, v17;
	v10 =	vmul.f32 v11, v5;
	v11 =	vld [tilespmem:s18+$0x90];
	v14 =	vadd.f32 v18, v15  }
0x160: {  	v15 =	vmul.f32 v24, v6;
	v17 =	vld [tilespmem:s18+$0xA0]  }
0x161: {  	v16 =	vmul.f32 v16, v7;
	v18 =	vld [tilespmem:s18+$0xB0];
	v12 =	vadd.f32 v14, v12;
	v14 =	vmov s20  }
0x162: {  	v9 =	vadd.f32 v15, v9;
	v15 =	vmul.f32 v23, v8;
	v21 =	vld [tilespmem:s18+$0xC0]  }
0x163: {  	s5 =	sadd.s32 $0x2, s20;
	s20 =	smov.u32 s3;
	v16 =	vadd.f32 v16, v20;
	v19 =	vmul.f32 v19, v1;
	v20 =	vld [tilespmem:s18+$0xD0];
	(xrf2) =	vadd.scan.msk.f32 $0xffff, v12  }
0x164: {  	v22 =	vmov s5;
	v12 =	vadd.f32 v15, v13;
	v13 =	vmul.f32 v11, v2;
	v15 =	vld [tilespmem:s18+$0xE0]  }
0x165: {  	v17 =	vmul.f32 v17, v3;
	v23 =	vld [tilespmem:s18+$0xF0];
	v24, _, _ =	vpop (xrf2)  }
0x166: {  	v11 =	vadd.f32 v12, v16;
	v12 =	vmul.f32 v18, v4;
	v16 =	vld [tilespmem:s18+$0x100];
	[tilespmem:v14+s25+$0x0] =	vst.idx.msk vm0, v24  }
0x167: {  	v14 =	vmul.f32 v21, v5;
	v18 =	vld [tilespmem:s18+$0x110]  }
0x168: {  	s3 =	sadd.s32 $0x3, s20;
	v20 =	vmul.f32 v20, v6;
	v21 =	vld [tilespmem:s18+$0x120];
	v24, _, _ =	vpop (xrf2)  }
0x169: {  	v26 =	vmov s3;
	v19 =	vadd.f32 v14, v19;
	v15 =	vmul.f32 v15, v7;
	v25 =	vld [tilespmem:s18+$0x130];
	[tilespmem:v22+s25+$0x0] =	vst.idx.msk vm0, v24  }
.Ltmp14:
0x16a: {  	v20 =	vadd.f32 v20, v13;
	v22 =	vmul.f32 v23, v8;
	v14 =	vld [tilespmem:s18+$0x140];
	(pc) =	sbr.rel @p0 .LBB2_13-.Ltmp14, $4  }
0x16b: {  	v23 =	vadd.f32 v15, v17;
	v13 =	vmul.f32 v16, v1;
	v15 =	vld [tilespmem:s18+$0x150]  }
0x16c: {  	v22 =	vadd.f32 v22, v12;
	v17 =	vadd.f32 v20, v19;
	v16 =	vmul.f32 v18, v2;
	v18 =	vld [tilespmem:s18+$0x160]  }
0x16d: {  	v12 =	vmul.f32 v21, v3;
	v20 =	vld [tilespmem:s18+$0x170];
	v24, _, _ =	vpop (xrf2)  }
0x16e: {  	v21 =	vld [tilespmem:s18+$0x0];
	v22 =	vadd.f32 v22, v23;
	v19 =	vmul.f32 v25, v4;
	[tilespmem:v26+s25+$0x0] =	vst.idx.msk vm0, v24;
	s18 =	sadd.s32 $0x200, s18  }
.LBB2_14:
0x16f: {  	_ =	sdelay $0x2  }
0x170: {  	v14 =	vmul.f32 v14, v5  }
0x171: {  	v15 =	vmul.f32 v15, v6;
	v21 =	vmul.f32 v21, v1  }
0x172: {  	v13 =	vadd.f32 v14, v13;
	v59 =	vmul.f32 v18, v7;
	v60 =	vmul.f32 v20, v8  }
0x173: {  	v15 =	vadd.f32 v15, v16;
	v10 =	vadd.f32 v10, v21  }
0x174: {  	v12 =	vadd.f32 v59, v12;
	v61 =	vadd.f32 v60, v19  }
0x175: {  	v62 =	vadd.f32 v22, v17;
	v9 =	vadd.f32 v9, v10  }
0x176: {  	v12 =	vadd.f32 v61, v12;
	v10 =	vadd.f32 v15, v13  }
0x177: {  	v9 =	vadd.f32 v11, v9  }
0x178: {  	(xrf2) =	vadd.scan.msk.f32 $0xffff, v62;
	v10 =	vadd.f32 v12, v10  }
0x179: {  	(xrf2) =	vadd.scan.msk.f32 $0xffff, v9  }
0x17a: {  	(xrf2) =	vadd.scan.msk.f32 $0xffff, v10;
	_ =	sdelay $0x2  }
0x17b: {  	s3 =	sadd.s32 $0x1, s20  }
0x17c: {  	v9 =	vmov s3  }
0x17d: {  	v10 =	vmov s20;
	s20 =	sadd.s32 $0x2, s20  }
0x17e: {  	v11 =	vmov s20;
	_ =	sdelay $0x1  }
0x17f: {  	v63, _, _ =	vpop (xrf2)  }
0x180: {  	[tilespmem:v9+s25+$0x0] =	vst.idx.msk vm0, v63;
	v9, _, _ =	vpop (xrf2)  }
0x181: {  	[tilespmem:v10+s25+$0x0] =	vst.idx.msk vm0, v9;
	v9, _, _ =	vpop (xrf2)  }
0x182: {  	[tilespmem:v11+s25+$0x0] =	vst.idx.msk vm0, v9  }
.LBB2_15:
0x183: {  	p0 =	sge.s32 s22, s1  }
.Ltmp15:
0x184: {  	_ = 	snop;
	(pc) =	sbr.rel @p0 .LBB2_18-.Ltmp15, $1  }
0x185: {  	_ =	sdelay $0x3  }
0x186: {  	s3 =	ssub.s32 s19, s21  }
0x187: {  	s5 =	sshll.u32 s1, $0x9;
	s17 =	sshll.u32 s3, $0x9  }
0x188: {  	s5 =	ssub.s32 s5, s17  }
0x189: {  	s5 =	sshra.s32 s5, $0x2  }
0x18a: {  	s3 =	ssub.s32 $0x0, s3;
	s17 =	sadd.s32 $0xC00, s5  }
.LBB2_17:
0x18b: {  	v9 =	vld [tilespmem:s17+$0x0]  }
0x18c: {  	v10 =	vld [tilespmem:s17+$0x10]  }
0x18d: {  	v11 =	vld [tilespmem:s17+$0x20]  }
0x18e: {  	v12 =	vld [tilespmem:s17+$0x30]  }
0x18f: {  	v13 =	vld [tilespmem:s17+$0x40]  }
0x190: {  	v14 =	vld [tilespmem:s17+$0x50]  }
0x191: {  	v15 =	vld [tilespmem:s17+$0x60]  }
0x192: {  	v16 =	vld [tilespmem:s17+$0x70];
	_ =	sdelay $0x1  }
0x193: {  	v9 =	vmul.f32 v9, v1;
	v10 =	vmul.f32 v10, v2  }
0x194: {  	v11 =	vmul.f32 v11, v3;
	v12 =	vmul.f32 v12, v4  }
0x195: {  	v13 =	vmul.f32 v13, v5;
	v14 =	vmul.f32 v14, v6  }
0x196: {  	v15 =	vmul.f32 v15, v7;
	v16 =	vmul.f32 v16, v8  }
0x197: {  	v9 =	vadd.f32 v13, v9;
	v10 =	vadd.f32 v14, v10  }
0x198: {  	v11 =	vadd.f32 v15, v11;
	v12 =	vadd.f32 v16, v12;
	_ =	sdelay $0x1  }
0x199: {  	v9 =	vadd.f32 v10, v9;
	v10 =	vadd.f32 v12, v11;
	_ =	sdelay $0x1  }
0x19a: {  	v9 =	vadd.f32 v10, v9;
	_ =	sdelay $0x1  }
0x19b: {  	(xrf2) =	vadd.scan.msk.f32 $0xffff, v9;
	_ =	sdelay $0x4  }
0x19c: {  	s5 =	sadd.s32 s3, s1;
	s3 =	sadd.s32 $0x1, s3  }
0x19d: {  	p0 =	seq.s32 s3, $0x0;
	v9 =	vmov s5  }
.Ltmp16:
0x19e: {  	_ = 	snop;
	(pc) =	sbr.rel @!p0 .LBB2_17-.Ltmp16, $3  }
0x19f: {  	_ =	sdelay $0x1  }
0x1a0: {  	v10, _, _ =	vpop (xrf2)  }
0x1a1: {  	s17 =	sadd.s32 $0x80, s17;
	[tilespmem:v9+s25+$0x0] =	vst.idx.msk vm0, v10  }
.Ltmp17:
0x1a2: {  	_ = 	snop;
	(pc) =	sbr.rel .LBB2_18-.Ltmp17, $1  }
0x1a3: {  	_ =	sdelay $0x3  }
.LBB2_19:
0x1a4: {  	_ =	swait.ge [sflag:s29], $0x4000  }
.Ltmp18:
0x1a5: {  	[sflag:s29] =	ssyncset.done $0x0;
	(pc) =	sbr.rel .LBB2_20-.Ltmp18, $4  }
0x1a6: {  	[sflag:s29] =	ssyncadd.s32 $0xFFFFC000  }
0x1a7: {  	_ =	swait.ge [sflag:s30], $0x4000  }
0x1a8: {  	[sflag:s30] =	ssyncset.done $0x0  }
0x1a9: {  	s0 =	simm.s32 $0x0;
	[sflag:s30] =	ssyncadd.s32 $0xFFFFC000  }
.LBB2_27:
0x1aa: {  	s0 =	sadd.s32 $0x1, s0  }
0x1ab: {  	p0 =	sne.s32 s0, $0x10  }
.Ltmp19:
0x1ac: {  	_ = 	snop;
	(pc) =	sbr.rel @!p0 .LBB2_28-.Ltmp19, $1  }
0x1ad: {  	_ =	sdelay $0x3  }
.LBB2_20:
0x1ae: {  	v1 =	vmov s0  }
0x1af: {  	v2 =	vadd.s32 $0x1, v1;
	_ =	sdelay $0x3  }
0x1b0: {  	v1 =	vld.idx.msk [tilespmem:v1+s16+$0x0], $0xffff  }
0x1b1: {  	v2 =	vld.idx.msk [tilespmem:v2+s16+$0x0], $0xffff;
	_ =	sdelay $0x3  }
0x1b2: {  	(v2sf) =	vpush v1, $0x0  }
0x1b3: {  	(v2sf) =	vpush v2, $0x0;
	_ =	sdelay $0xd  }
0x1b4: {  	s20 =	spop (v2sf)  }
0x1b5: {  	s1 =	spop (v2sf)  }
0x1b6: {  	p0 =	sgt.s32 s20, $0x200;
	p1 =	slt.s32 s1, $0x300  }
0x1b7: {  	s20 =	simm.s32 @!p0 $0x200;
	s1 =	simm.s32 @!p1 $0x300  }
0x1b8: {  	p0 =	sgt.s32 s20, s1  }
0x1b9: {  	s1 =	smov.u32 @p0 s20  }
0x1ba: {  	s19 =	ssub.s32 s1, s20  }
0x1bb: {  	s5 =	sshra.s32 s19, $0x1F  }
0x1bc: {  	s3 =	sshll.u32 s0, $0x7;
	s5 =	sshrl.u32 s5, $0x1E  }
0x1bd: {  	s3 =	sand.u32 $0x3FFFFF80, s3;
	s5 =	sadd.s32 s5, s19  }
0x1be: {  	v3 =	vld [tilespmem:s3+$0x20];
	s21 =	sand.u32 $0xFFFFFFFC, s5  }
0x1bf: {  	v4 =	vld [tilespmem:s3+$0x30];
	s22 =	sadd.s32 s20, s21  }
0x1c0: {  	v5 =	vld [tilespmem:s3+$0x40];
	p0 =	sge.s32 s20, s22  }
.Ltmp20:
0x1c1: {  	v6 =	vld [tilespmem:s3+$0x50];
	(pc) =	sbr.rel @p0 .LBB2_24-.Ltmp20, $4  }
0x1c2: {  	v7 =	vld [tilespmem:s3+$0x60]  }
0x1c3: {  	v8 =	vld [tilespmem:s3+$0x70]  }
0x1c4: {  	v1 =	vld [tilespmem:s3+$0x0]  }
0x1c5: {  	v2 =	vld [tilespmem:s3+$0x10]  }
0x1c6: {  	s3 =	sshll.u32 s20, $0x9  }
0x1c7: {  	s3 =	sshra.s32 s3, $0x2  }
0x1c8: {  	s3 =	sadd.s32 $0xC00, s3  }
0x1c9: {  	v9 =	vld [tilespmem:s3+$0x180]  }
0x1ca: {  	v10 =	vld [tilespmem:s3+$0x190]  }
0x1cb: {  	v11 =	vld [tilespmem:s3+$0x1A0]  }
0x1cc: {  	v12 =	vld [tilespmem:s3+$0x1B0]  }
0x1cd: {  	v13 =	vld [tilespmem:s3+$0x1C0]  }
0x1ce: {  	v14 =	vld [tilespmem:s3+$0x1D0]  }
0x1cf: {  	v15 =	vld [tilespmem:s3+$0x1E0]  }
0x1d0: {  	v16 =	vld [tilespmem:s3+$0x1F0]  }
0x1d1: {  	v17 =	vld [tilespmem:s3+$0x10]  }
0x1d2: {  	v18 =	vld [tilespmem:s3+$0x20];
	v9 =	vmul.f32 v9, v1;
	v10 =	vmul.f32 v10, v2  }
0x1d3: {  	v19 =	vld [tilespmem:s3+$0x30];
	v11 =	vmul.f32 v11, v3;
	v12 =	vmul.f32 v12, v4  }
0x1d4: {  	v20 =	vld [tilespmem:s3+$0x40];
	v13 =	vmul.f32 v13, v5;
	v14 =	vmul.f32 v14, v6  }
0x1d5: {  	v21 =	vld [tilespmem:s3+$0x50];
	v15 =	vmul.f32 v15, v7;
	v16 =	vmul.f32 v16, v8  }
0x1d6: {  	v22 =	vld [tilespmem:s3+$0x60];
	v9 =	vadd.f32 v13, v9;
	v10 =	vadd.f32 v14, v10  }
0x1d7: {  	v23 =	vld [tilespmem:s3+$0xF0];
	v11 =	vadd.f32 v15, v11;
	v12 =	vadd.f32 v16, v12  }
0x1d8: {  	v13 =	vld [tilespmem:s3+$0x70]  }
0x1d9: {  	v14 =	vld [tilespmem:s3+$0x80];
	v9 =	vadd.f32 v10, v9;
	v10 =	vadd.f32 v12, v11  }
0x1da: {  	v15 =	vld [tilespmem:s3+$0x90]  }
0x1db: {  	v16 =	vld [tilespmem:s3+$0xD0];
	v9 =	vadd.f32 v10, v9  }
0x1dc: {  	v11 =	vld [tilespmem:s3+$0xA0]  }
0x1dd: {  	v18 =	vmul.f32 v18, v3;
	v12 =	vld [tilespmem:s3+$0xB0];
	(xrf2) =	vadd.scan.msk.f32 $0xffff, v9  }
0x1de: {  	v22 =	vmul.f32 v22, v7;
	v19 =	vmul.f32 v19, v4;
	v10 =	vld [tilespmem:s3+$0xC0]  }
0x1df: {  	v9 =	vmul.f32 v17, v2;
	v17 =	vmul.f32 v21, v6;
	v21 =	vld [tilespmem:s3+$0xE0]  }
0x1e0: {  	v24 =	vld [tilespmem:s3+$0x110];
	v18 =	vadd.f32 v22, v18;
	v13 =	vmul.f32 v13, v8;
	v22 =	vmul.f32 v14, v1  }
0x1e1: {  	v25 =	vld [tilespmem:s3+$0x120];
	v15 =	vmul.f32 v15, v2;
	v16 =	vmul.f32 v16, v6  }
0x1e2: {  	s5 =	sadd.s32 $0x3, s20;
	s17 =	sadd.s32 $0x4, s20;
	v13 =	vadd.f32 v13, v19;
	v19 =	vmul.f32 v11, v3;
	v9 =	vadd.f32 v17, v9;
	v17 =	vld [tilespmem:s3+$0x100]  }
0x1e3: {  	v28 =	vmov s5;
	p0 =	slt.s32 s17, s22;
	v27 =	vld [tilespmem:s3+$0x130];
	v12 =	vmul.f32 v12, v4;
	v26 =	vmul.f32 v10, v5  }
.Ltmp21:
0x1e4: {  	v14 =	vld [tilespmem:s3+$0x140];
	v11 =	vadd.f32 v13, v18;
	v18 =	vmul.f32 v23, v8;
	v13 =	vmul.f32 v21, v7;
	(pc) =	sbr.rel @!p0 .LBB2_23-.Ltmp21, $4  }
0x1e5: {  	v16 =	vadd.f32 v16, v15;
	v15 =	vld [tilespmem:s3+$0x150];
	v10 =	vmul.f32 v20, v5;
	v20 =	vadd.f32 v26, v22  }
0x1e6: {  	v22 =	vadd.f32 v18, v12;
	v18 =	vld [tilespmem:s3+$0x160];
	v12 =	vmul.f32 v25, v3;
	v19 =	vadd.f32 v13, v19  }
0x1e7: {  	v13 =	vmul.f32 v17, v1;
	v17 =	vadd.f32 v16, v20;
	v16 =	vmul.f32 v24, v2;
	v20 =	vld [tilespmem:s3+$0x170];
	v23, _, _ =	vpop (xrf2)  }
0x1e8: {  	s18 =	sadd.s32 $0x200, s3;
	v21 =	vld [tilespmem:s3+$0x0];
	v22 =	vadd.f32 v22, v19;
	v19 =	vmul.f32 v27, v4;
	[tilespmem:v28+s25+$0x0] =	vst.idx.msk vm0, v23  }
.LBB2_22:
0x1e9: {  	v23 =	vld [tilespmem:s18+$0x180];
	v14 =	vmul.f32 v14, v5;
	s3 =	smov.u32 s17  }
0x1ea: {  	v24 =	vld [tilespmem:s18+$0x190];
	v17 =	vadd.f32 v22, v17;
	v15 =	vmul.f32 v15, v6  }
0x1eb: {  	v22 =	vld [tilespmem:s18+$0x1A0];
	v13 =	vadd.f32 v14, v13;
	v14 =	vmul.f32 v18, v7  }
0x1ec: {  	v18 =	vld [tilespmem:s18+$0x1B0];
	v15 =	vadd.f32 v15, v16;
	v16 =	vmul.f32 v20, v8;
	(xrf2) =	vadd.scan.msk.f32 $0xffff, v17  }
0x1ed: {  	v17 =	vld [tilespmem:s18+$0x1C0];
	v20 =	vmul.f32 v21, v1;
	v12 =	vadd.f32 v14, v12  }
0x1ee: {  	v14 =	vld [tilespmem:s18+$0x1D0];
	v16 =	vadd.f32 v16, v19;
	v13 =	vadd.f32 v15, v13  }
0x1ef: {  	v15 =	vld [tilespmem:s18+$0x1E0];
	v10 =	vadd.f32 v10, v20  }
0x1f0: {  	s17 =	sadd.s32 $0x4, s17;
	s5 =	sadd.s32 $0x1, s20;
	v19 =	vld [tilespmem:s18+$0x1F0];
	v12 =	vadd.f32 v16, v12  }
0x1f1: {  	p0 =	slt.s32 s17, s22;
	v16 =	vld [tilespmem:s18+$0x10];
	v9 =	vadd.f32 v9, v10;
	v10 =	vmov s5  }
0x1f2: {  	v21 =	vmul.f32 v23, v1;
	v23 =	vmul.f32 v24, v2;
	v20 =	vld [tilespmem:s18+$0x20];
	v12 =	vadd.f32 v12, v13  }
0x1f3: {  	v22 =	vmul.f32 v22, v3;
	v18 =	vmul.f32 v18, v4;
	v13 =	vld [tilespmem:s18+$0x30];
	v9 =	vadd.f32 v11, v9  }
0x1f4: {  	v17 =	vmul.f32 v17, v5;
	v14 =	vmul.f32 v14, v6;
	v11 =	vld [tilespmem:s18+$0x40]  }
0x1f5: {  	v15 =	vmul.f32 v15, v7;
	v24 =	vld [tilespmem:s18+$0x50];
	v19 =	vmul.f32 v19, v8;
	(xrf2) =	vadd.scan.msk.f32 $0xffff, v9  }
0x1f6: {  	v17 =	vadd.f32 v17, v21;
	v14 =	vadd.f32 v14, v23;
	v9 =	vmul.f32 v16, v2;
	v16 =	vld [tilespmem:s18+$0x60];
	v21, _, _ =	vpop (xrf2)  }
0x1f7: {  	v15 =	vadd.f32 v15, v22;
	v20 =	vmul.f32 v20, v3;
	v23 =	vld [tilespmem:s18+$0x70];
	v18 =	vadd.f32 v19, v18  }
0x1f8: {  	v13 =	vmul.f32 v13, v4;
	v19 =	vld [tilespmem:s18+$0x80];
	[tilespmem:v10+s25+$0x0] =	vst.idx.msk vm0, v21;
	(xrf2) =	vadd.scan.msk.f32 $0xffff, v12  }
0x1f9: {  	v12 =	vadd.f32 v14, v17;
	v10 =	vmul.f32 v11, v5;
	v11 =	vld [tilespmem:s18+$0x90];
	v14 =	vadd.f32 v18, v15  }
0x1fa: {  	v15 =	vmul.f32 v24, v6;
	v17 =	vld [tilespmem:s18+$0xA0]  }
0x1fb: {  	v16 =	vmul.f32 v16, v7;
	v18 =	vld [tilespmem:s18+$0xB0];
	v12 =	vadd.f32 v14, v12;
	v14 =	vmov s20  }
0x1fc: {  	v9 =	vadd.f32 v15, v9;
	v15 =	vmul.f32 v23, v8;
	v21 =	vld [tilespmem:s18+$0xC0]  }
0x1fd: {  	s5 =	sadd.s32 $0x2, s20;
	s20 =	smov.u32 s3;
	v16 =	vadd.f32 v16, v20;
	v19 =	vmul.f32 v19, v1;
	v20 =	vld [tilespmem:s18+$0xD0];
	(xrf2) =	vadd.scan.msk.f32 $0xffff, v12  }
0x1fe: {  	v22 =	vmov s5;
	v12 =	vadd.f32 v15, v13;
	v13 =	vmul.f32 v11, v2;
	v15 =	vld [tilespmem:s18+$0xE0]  }
0x1ff: {  	v17 =	vmul.f32 v17, v3;
	v23 =	vld [tilespmem:s18+$0xF0];
	v24, _, _ =	vpop (xrf2)  }
0x200: {  	v11 =	vadd.f32 v12, v16;
	v12 =	vmul.f32 v18, v4;
	v16 =	vld [tilespmem:s18+$0x100];
	[tilespmem:v14+s25+$0x0] =	vst.idx.msk vm0, v24  }
0x201: {  	v14 =	vmul.f32 v21, v5;
	v18 =	vld [tilespmem:s18+$0x110]  }
0x202: {  	s3 =	sadd.s32 $0x3, s20;
	v20 =	vmul.f32 v20, v6;
	v21 =	vld [tilespmem:s18+$0x120];
	v24, _, _ =	vpop (xrf2)  }
0x203: {  	v26 =	vmov s3;
	v19 =	vadd.f32 v14, v19;
	v15 =	vmul.f32 v15, v7;
	v25 =	vld [tilespmem:s18+$0x130];
	[tilespmem:v22+s25+$0x0] =	vst.idx.msk vm0, v24  }
.Ltmp22:
0x204: {  	v20 =	vadd.f32 v20, v13;
	v22 =	vmul.f32 v23, v8;
	v14 =	vld [tilespmem:s18+$0x140];
	(pc) =	sbr.rel @p0 .LBB2_22-.Ltmp22, $4  }
0x205: {  	v23 =	vadd.f32 v15, v17;
	v13 =	vmul.f32 v16, v1;
	v15 =	vld [tilespmem:s18+$0x150]  }
0x206: {  	v22 =	vadd.f32 v22, v12;
	v17 =	vadd.f32 v20, v19;
	v16 =	vmul.f32 v18, v2;
	v18 =	vld [tilespmem:s18+$0x160]  }
0x207: {  	v12 =	vmul.f32 v21, v3;
	v20 =	vld [tilespmem:s18+$0x170];
	v24, _, _ =	vpop (xrf2)  }
0x208: {  	v21 =	vld [tilespmem:s18+$0x0];
	v22 =	vadd.f32 v22, v23;
	v19 =	vmul.f32 v25, v4;
	[tilespmem:v26+s25+$0x0] =	vst.idx.msk vm0, v24;
	s18 =	sadd.s32 $0x200, s18  }
.LBB2_23:
0x209: {  	_ =	sdelay $0x2  }
0x20a: {  	v14 =	vmul.f32 v14, v5  }
0x20b: {  	v15 =	vmul.f32 v15, v6;
	v21 =	vmul.f32 v21, v1  }
0x20c: {  	v13 =	vadd.f32 v14, v13;
	v59 =	vmul.f32 v18, v7;
	v60 =	vmul.f32 v20, v8  }
0x20d: {  	v15 =	vadd.f32 v15, v16;
	v10 =	vadd.f32 v10, v21  }
0x20e: {  	v12 =	vadd.f32 v59, v12;
	v61 =	vadd.f32 v60, v19  }
0x20f: {  	v62 =	vadd.f32 v22, v17;
	v9 =	vadd.f32 v9, v10  }
0x210: {  	v12 =	vadd.f32 v61, v12;
	v10 =	vadd.f32 v15, v13  }
0x211: {  	v9 =	vadd.f32 v11, v9  }
0x212: {  	(xrf2) =	vadd.scan.msk.f32 $0xffff, v62;
	v10 =	vadd.f32 v12, v10  }
0x213: {  	(xrf2) =	vadd.scan.msk.f32 $0xffff, v9  }
0x214: {  	(xrf2) =	vadd.scan.msk.f32 $0xffff, v10;
	_ =	sdelay $0x2  }
0x215: {  	s3 =	sadd.s32 $0x1, s20  }
0x216: {  	v9 =	vmov s3  }
0x217: {  	v10 =	vmov s20;
	s20 =	sadd.s32 $0x2, s20  }
0x218: {  	v11 =	vmov s20;
	_ =	sdelay $0x1  }
0x219: {  	v63, _, _ =	vpop (xrf2)  }
0x21a: {  	[tilespmem:v9+s25+$0x0] =	vst.idx.msk vm0, v63;
	v9, _, _ =	vpop (xrf2)  }
0x21b: {  	[tilespmem:v10+s25+$0x0] =	vst.idx.msk vm0, v9;
	v9, _, _ =	vpop (xrf2)  }
0x21c: {  	[tilespmem:v11+s25+$0x0] =	vst.idx.msk vm0, v9  }
.LBB2_24:
0x21d: {  	p0 =	sge.s32 s22, s1  }
.Ltmp23:
0x21e: {  	_ = 	snop;
	(pc) =	sbr.rel @p0 .LBB2_27-.Ltmp23, $1  }
0x21f: {  	_ =	sdelay $0x3  }
0x220: {  	s3 =	ssub.s32 s19, s21  }
0x221: {  	s5 =	sshll.u32 s1, $0x9;
	s17 =	sshll.u32 s3, $0x9  }
0x222: {  	s5 =	ssub.s32 s5, s17  }
0x223: {  	s5 =	sshra.s32 s5, $0x2  }
0x224: {  	s3 =	ssub.s32 $0x0, s3;
	s17 =	sadd.s32 $0xC00, s5  }
.LBB2_26:
0x225: {  	v9 =	vld [tilespmem:s17+$0x0]  }
0x226: {  	v10 =	vld [tilespmem:s17+$0x10]  }
0x227: {  	v11 =	vld [tilespmem:s17+$0x20]  }
0x228: {  	v12 =	vld [tilespmem:s17+$0x30]  }
0x229: {  	v13 =	vld [tilespmem:s17+$0x40]  }
0x22a: {  	v14 =	vld [tilespmem:s17+$0x50]  }
0x22b: {  	v15 =	vld [tilespmem:s17+$0x60]  }
0x22c: {  	v16 =	vld [tilespmem:s17+$0x70];
	_ =	sdelay $0x1  }
0x22d: {  	v9 =	vmul.f32 v9, v1;
	v10 =	vmul.f32 v10, v2  }
0x22e: {  	v11 =	vmul.f32 v11, v3;
	v12 =	vmul.f32 v12, v4  }
0x22f: {  	v13 =	vmul.f32 v13, v5;
	v14 =	vmul.f32 v14, v6  }
0x230: {  	v15 =	vmul.f32 v15, v7;
	v16 =	vmul.f32 v16, v8  }
0x231: {  	v9 =	vadd.f32 v13, v9;
	v10 =	vadd.f32 v14, v10  }
0x232: {  	v11 =	vadd.f32 v15, v11;
	v12 =	vadd.f32 v16, v12;
	_ =	sdelay $0x1  }
0x233: {  	v9 =	vadd.f32 v10, v9;
	v10 =	vadd.f32 v12, v11;
	_ =	sdelay $0x1  }
0x234: {  	v9 =	vadd.f32 v10, v9;
	_ =	sdelay $0x1  }
0x235: {  	(xrf2) =	vadd.scan.msk.f32 $0xffff, v9;
	_ =	sdelay $0x4  }
0x236: {  	s5 =	sadd.s32 s3, s1;
	s3 =	sadd.s32 $0x1, s3  }
0x237: {  	p0 =	seq.s32 s3, $0x0;
	v9 =	vmov s5  }
.Ltmp24:
0x238: {  	_ = 	snop;
	(pc) =	sbr.rel @!p0 .LBB2_26-.Ltmp24, $3  }
0x239: {  	_ =	sdelay $0x1  }
0x23a: {  	v10, _, _ =	vpop (xrf2)  }
0x23b: {  	s17 =	sadd.s32 $0x80, s17;
	[tilespmem:v9+s25+$0x0] =	vst.idx.msk vm0, v10  }
.Ltmp25:
0x23c: {  	_ = 	snop;
	(pc) =	sbr.rel .LBB2_27-.Ltmp25, $1  }
0x23d: {  	_ =	sdelay $0x3  }
.LBB2_28:
0x23e: {  	_ =	swait.ge [sflag:s23], $0x4000  }
.Ltmp26:
0x23f: {  	[sflag:s23] =	ssyncset.done $0x0;
	(pc) =	sbr.rel .LBB2_29-.Ltmp26, $4  }
0x240: {  	[sflag:s23] =	ssyncadd.s32 $0xFFFFC000  }
0x241: {  	_ =	swait.ge [sflag:s24], $0x4000  }
0x242: {  	[sflag:s24] =	ssyncset.done $0x0  }
0x243: {  	s0 =	simm.s32 $0x0;
	[sflag:s24] =	ssyncadd.s32 $0xFFFFC000  }
.LBB2_36:
0x244: {  	s0 =	sadd.s32 $0x1, s0  }
0x245: {  	p0 =	sne.s32 s0, $0x10  }
.Ltmp27:
0x246: {  	_ = 	snop;
	(pc) =	sbr.rel @!p0 .LBB2_37-.Ltmp27, $1  }
0x247: {  	_ =	sdelay $0x3  }
.LBB2_29:
0x248: {  	v1 =	vmov s0  }
0x249: {  	v2 =	vadd.s32 $0x1, v1;
	_ =	sdelay $0x3  }
0x24a: {  	v1 =	vld.idx.msk [tilespmem:v1+s16+$0x0], $0xffff  }
0x24b: {  	v2 =	vld.idx.msk [tilespmem:v2+s16+$0x0], $0xffff;
	_ =	sdelay $0x3  }
0x24c: {  	(v2sf) =	vpush v1, $0x0  }
0x24d: {  	(v2sf) =	vpush v2, $0x0;
	_ =	sdelay $0xd  }
0x24e: {  	s20 =	spop (v2sf)  }
0x24f: {  	s1 =	spop (v2sf)  }
0x250: {  	p0 =	sgt.s32 s20, $0x300;
	p1 =	slt.s32 s1, $0x400  }
0x251: {  	s20 =	simm.s32 @!p0 $0x300;
	s1 =	simm.s32 @!p1 $0x400  }
0x252: {  	p0 =	sgt.s32 s20, s1  }
0x253: {  	s1 =	smov.u32 @p0 s20  }
0x254: {  	s19 =	ssub.s32 s1, s20  }
0x255: {  	s5 =	sshra.s32 s19, $0x1F  }
0x256: {  	s3 =	sshll.u32 s0, $0x7;
	s5 =	sshrl.u32 s5, $0x1E  }
0x257: {  	s3 =	sand.u32 $0x3FFFFF80, s3;
	s5 =	sadd.s32 s5, s19  }
0x258: {  	v3 =	vld [tilespmem:s3+$0x20];
	s21 =	sand.u32 $0xFFFFFFFC, s5  }
0x259: {  	v4 =	vld [tilespmem:s3+$0x30];
	s22 =	sadd.s32 s20, s21  }
0x25a: {  	v5 =	vld [tilespmem:s3+$0x40];
	p0 =	sge.s32 s20, s22  }
.Ltmp28:
0x25b: {  	v6 =	vld [tilespmem:s3+$0x50];
	(pc) =	sbr.rel @p0 .LBB2_33-.Ltmp28, $4  }
0x25c: {  	v7 =	vld [tilespmem:s3+$0x60]  }
0x25d: {  	v8 =	vld [tilespmem:s3+$0x70]  }
0x25e: {  	v1 =	vld [tilespmem:s3+$0x0]  }
0x25f: {  	v2 =	vld [tilespmem:s3+$0x10]  }
0x260: {  	s3 =	sshll.u32 s20, $0x9  }
0x261: {  	s3 =	sshra.s32 s3, $0x2  }
0x262: {  	s3 =	sadd.s32 $0xFFFE8C00, s3  }
0x263: {  	v9 =	vld [tilespmem:s3+$0x180]  }
0x264: {  	v10 =	vld [tilespmem:s3+$0x190]  }
0x265: {  	v11 =	vld [tilespmem:s3+$0x1A0]  }
0x266: {  	v12 =	vld [tilespmem:s3+$0x1B0]  }
0x267: {  	v13 =	vld [tilespmem:s3+$0x1C0]  }
0x268: {  	v14 =	vld [tilespmem:s3+$0x1D0]  }
0x269: {  	v15 =	vld [tilespmem:s3+$0x1E0]  }
0x26a: {  	v16 =	vld [tilespmem:s3+$0x1F0]  }
0x26b: {  	v17 =	vld [tilespmem:s3+$0x10]  }
0x26c: {  	v18 =	vld [tilespmem:s3+$0x20];
	v9 =	vmul.f32 v9, v1;
	v10 =	vmul.f32 v10, v2  }
0x26d: {  	v19 =	vld [tilespmem:s3+$0x30];
	v11 =	vmul.f32 v11, v3;
	v12 =	vmul.f32 v12, v4  }
0x26e: {  	v20 =	vld [tilespmem:s3+$0x40];
	v13 =	vmul.f32 v13, v5;
	v14 =	vmul.f32 v14, v6  }
0x26f: {  	v21 =	vld [tilespmem:s3+$0x50];
	v15 =	vmul.f32 v15, v7;
	v16 =	vmul.f32 v16, v8  }
0x270: {  	v22 =	vld [tilespmem:s3+$0x60];
	v9 =	vadd.f32 v13, v9;
	v10 =	vadd.f32 v14, v10  }
0x271: {  	v23 =	vld [tilespmem:s3+$0xF0];
	v11 =	vadd.f32 v15, v11;
	v12 =	vadd.f32 v16, v12  }
0x272: {  	v13 =	vld [tilespmem:s3+$0x70]  }
0x273: {  	v14 =	vld [tilespmem:s3+$0x80];
	v9 =	vadd.f32 v10, v9;
	v10 =	vadd.f32 v12, v11  }
0x274: {  	v15 =	vld [tilespmem:s3+$0x90]  }
0x275: {  	v16 =	vld [tilespmem:s3+$0xD0];
	v9 =	vadd.f32 v10, v9  }
0x276: {  	v11 =	vld [tilespmem:s3+$0xA0]  }
0x277: {  	v18 =	vmul.f32 v18, v3;
	v12 =	vld [tilespmem:s3+$0xB0];
	(xrf2) =	vadd.scan.msk.f32 $0xffff, v9  }
0x278: {  	v22 =	vmul.f32 v22, v7;
	v19 =	vmul.f32 v19, v4;
	v10 =	vld [tilespmem:s3+$0xC0]  }
0x279: {  	v9 =	vmul.f32 v17, v2;
	v17 =	vmul.f32 v21, v6;
	v21 =	vld [tilespmem:s3+$0xE0]  }
0x27a: {  	v24 =	vld [tilespmem:s3+$0x110];
	v18 =	vadd.f32 v22, v18;
	v13 =	vmul.f32 v13, v8;
	v22 =	vmul.f32 v14, v1  }
0x27b: {  	v25 =	vld [tilespmem:s3+$0x120];
	v15 =	vmul.f32 v15, v2;
	v16 =	vmul.f32 v16, v6  }
0x27c: {  	s5 =	sadd.s32 $0x3, s20;
	s17 =	sadd.s32 $0x4, s20;
	v13 =	vadd.f32 v13, v19;
	v19 =	vmul.f32 v11, v3;
	v9 =	vadd.f32 v17, v9;
	v17 =	vld [tilespmem:s3+$0x100]  }
0x27d: {  	v28 =	vmov s5;
	p0 =	slt.s32 s17, s22;
	v27 =	vld [tilespmem:s3+$0x130];
	v12 =	vmul.f32 v12, v4;
	v26 =	vmul.f32 v10, v5  }
.Ltmp29:
0x27e: {  	v14 =	vld [tilespmem:s3+$0x140];
	v11 =	vadd.f32 v13, v18;
	v18 =	vmul.f32 v23, v8;
	v13 =	vmul.f32 v21, v7;
	(pc) =	sbr.rel @!p0 .LBB2_32-.Ltmp29, $4  }
0x27f: {  	v16 =	vadd.f32 v16, v15;
	v15 =	vld [tilespmem:s3+$0x150];
	v10 =	vmul.f32 v20, v5;
	v20 =	vadd.f32 v26, v22  }
0x280: {  	v22 =	vadd.f32 v18, v12;
	v18 =	vld [tilespmem:s3+$0x160];
	v12 =	vmul.f32 v25, v3;
	v19 =	vadd.f32 v13, v19  }
0x281: {  	v13 =	vmul.f32 v17, v1;
	v17 =	vadd.f32 v16, v20;
	v16 =	vmul.f32 v24, v2;
	v20 =	vld [tilespmem:s3+$0x170];
	v23, _, _ =	vpop (xrf2)  }
0x282: {  	s18 =	sadd.s32 $0x200, s3;
	v21 =	vld [tilespmem:s3+$0x0];
	v22 =	vadd.f32 v22, v19;
	v19 =	vmul.f32 v27, v4;
	[tilespmem:v28+s25+$0x0] =	vst.idx.msk vm0, v23  }
.LBB2_31:
0x283: {  	v23 =	vld [tilespmem:s18+$0x180];
	v14 =	vmul.f32 v14, v5;
	s3 =	smov.u32 s17  }
0x284: {  	v24 =	vld [tilespmem:s18+$0x190];
	v17 =	vadd.f32 v22, v17;
	v15 =	vmul.f32 v15, v6  }
0x285: {  	v22 =	vld [tilespmem:s18+$0x1A0];
	v13 =	vadd.f32 v14, v13;
	v14 =	vmul.f32 v18, v7  }
0x286: {  	v18 =	vld [tilespmem:s18+$0x1B0];
	v15 =	vadd.f32 v15, v16;
	v16 =	vmul.f32 v20, v8;
	(xrf2) =	vadd.scan.msk.f32 $0xffff, v17  }
0x287: {  	v17 =	vld [tilespmem:s18+$0x1C0];
	v20 =	vmul.f32 v21, v1;
	v12 =	vadd.f32 v14, v12  }
0x288: {  	v14 =	vld [tilespmem:s18+$0x1D0];
	v16 =	vadd.f32 v16, v19;
	v13 =	vadd.f32 v15, v13  }
0x289: {  	v15 =	vld [tilespmem:s18+$0x1E0];
	v10 =	vadd.f32 v10, v20  }
0x28a: {  	s17 =	sadd.s32 $0x4, s17;
	s5 =	sadd.s32 $0x1, s20;
	v19 =	vld [tilespmem:s18+$0x1F0];
	v12 =	vadd.f32 v16, v12  }
0x28b: {  	p0 =	slt.s32 s17, s22;
	v16 =	vld [tilespmem:s18+$0x10];
	v9 =	vadd.f32 v9, v10;
	v10 =	vmov s5  }
0x28c: {  	v21 =	vmul.f32 v23, v1;
	v23 =	vmul.f32 v24, v2;
	v20 =	vld [tilespmem:s18+$0x20];
	v12 =	vadd.f32 v12, v13  }
0x28d: {  	v22 =	vmul.f32 v22, v3;
	v18 =	vmul.f32 v18, v4;
	v13 =	vld [tilespmem:s18+$0x30];
	v9 =	vadd.f32 v11, v9  }
0x28e: {  	v17 =	vmul.f32 v17, v5;
	v14 =	vmul.f32 v14, v6;
	v11 =	vld [tilespmem:s18+$0x40]  }
0x28f: {  	v15 =	vmul.f32 v15, v7;
	v24 =	vld [tilespmem:s18+$0x50];
	v19 =	vmul.f32 v19, v8;
	(xrf2) =	vadd.scan.msk.f32 $0xffff, v9  }
0x290: {  	v17 =	vadd.f32 v17, v21;
	v14 =	vadd.f32 v14, v23;
	v9 =	vmul.f32 v16, v2;
	v16 =	vld [tilespmem:s18+$0x60];
	v21, _, _ =	vpop (xrf2)  }
0x291: {  	v15 =	vadd.f32 v15, v22;
	v20 =	vmul.f32 v20, v3;
	v23 =	vld [tilespmem:s18+$0x70];
	v18 =	vadd.f32 v19, v18  }
0x292: {  	v13 =	vmul.f32 v13, v4;
	v19 =	vld [tilespmem:s18+$0x80];
	[tilespmem:v10+s25+$0x0] =	vst.idx.msk vm0, v21;
	(xrf2) =	vadd.scan.msk.f32 $0xffff, v12  }
0x293: {  	v12 =	vadd.f32 v14, v17;
	v10 =	vmul.f32 v11, v5;
	v11 =	vld [tilespmem:s18+$0x90];
	v14 =	vadd.f32 v18, v15  }
0x294: {  	v15 =	vmul.f32 v24, v6;
	v17 =	vld [tilespmem:s18+$0xA0]  }
0x295: {  	v16 =	vmul.f32 v16, v7;
	v18 =	vld [tilespmem:s18+$0xB0];
	v12 =	vadd.f32 v14, v12;
	v14 =	vmov s20  }
0x296: {  	v9 =	vadd.f32 v15, v9;
	v15 =	vmul.f32 v23, v8;
	v21 =	vld [tilespmem:s18+$0xC0]  }
0x297: {  	s5 =	sadd.s32 $0x2, s20;
	s20 =	smov.u32 s3;
	v16 =	vadd.f32 v16, v20;
	v19 =	vmul.f32 v19, v1;
	v20 =	vld [tilespmem:s18+$0xD0];
	(xrf2) =	vadd.scan.msk.f32 $0xffff, v12  }
0x298: {  	v22 =	vmov s5;
	v12 =	vadd.f32 v15, v13;
	v13 =	vmul.f32 v11, v2;
	v15 =	vld [tilespmem:s18+$0xE0]  }
0x299: {  	v17 =	vmul.f32 v17, v3;
	v23 =	vld [tilespmem:s18+$0xF0];
	v24, _, _ =	vpop (xrf2)  }
0x29a: {  	v11 =	vadd.f32 v12, v16;
	v12 =	vmul.f32 v18, v4;
	v16 =	vld [tilespmem:s18+$0x100];
	[tilespmem:v14+s25+$0x0] =	vst.idx.msk vm0, v24  }
0x29b: {  	v14 =	vmul.f32 v21, v5;
	v18 =	vld [tilespmem:s18+$0x110]  }
0x29c: {  	s3 =	sadd.s32 $0x3, s20;
	v20 =	vmul.f32 v20, v6;
	v21 =	vld [tilespmem:s18+$0x120];
	v24, _, _ =	vpop (xrf2)  }
0x29d: {  	v26 =	vmov s3;
	v19 =	vadd.f32 v14, v19;
	v15 =	vmul.f32 v15, v7;
	v25 =	vld [tilespmem:s18+$0x130];
	[tilespmem:v22+s25+$0x0] =	vst.idx.msk vm0, v24  }
.Ltmp30:
0x29e: {  	v20 =	vadd.f32 v20, v13;
	v22 =	vmul.f32 v23, v8;
	v14 =	vld [tilespmem:s18+$0x140];
	(pc) =	sbr.rel @p0 .LBB2_31-.Ltmp30, $4  }
0x29f: {  	v23 =	vadd.f32 v15, v17;
	v13 =	vmul.f32 v16, v1;
	v15 =	vld [tilespmem:s18+$0x150]  }
0x2a0: {  	v22 =	vadd.f32 v22, v12;
	v17 =	vadd.f32 v20, v19;
	v16 =	vmul.f32 v18, v2;
	v18 =	vld [tilespmem:s18+$0x160]  }
0x2a1: {  	v12 =	vmul.f32 v21, v3;
	v20 =	vld [tilespmem:s18+$0x170];
	v24, _, _ =	vpop (xrf2)  }
0x2a2: {  	v21 =	vld [tilespmem:s18+$0x0];
	v22 =	vadd.f32 v22, v23;
	v19 =	vmul.f32 v25, v4;
	[tilespmem:v26+s25+$0x0] =	vst.idx.msk vm0, v24;
	s18 =	sadd.s32 $0x200, s18  }
.LBB2_32:
0x2a3: {  	_ =	sdelay $0x2  }
0x2a4: {  	v14 =	vmul.f32 v14, v5  }
0x2a5: {  	v15 =	vmul.f32 v15, v6;
	v21 =	vmul.f32 v21, v1  }
0x2a6: {  	v13 =	vadd.f32 v14, v13;
	v59 =	vmul.f32 v18, v7;
	v60 =	vmul.f32 v20, v8  }
0x2a7: {  	v15 =	vadd.f32 v15, v16;
	v10 =	vadd.f32 v10, v21  }
0x2a8: {  	v12 =	vadd.f32 v59, v12;
	v61 =	vadd.f32 v60, v19  }
0x2a9: {  	v62 =	vadd.f32 v22, v17;
	v9 =	vadd.f32 v9, v10  }
0x2aa: {  	v12 =	vadd.f32 v61, v12;
	v10 =	vadd.f32 v15, v13  }
0x2ab: {  	v9 =	vadd.f32 v11, v9  }
0x2ac: {  	(xrf2) =	vadd.scan.msk.f32 $0xffff, v62;
	v10 =	vadd.f32 v12, v10  }
0x2ad: {  	(xrf2) =	vadd.scan.msk.f32 $0xffff, v9  }
0x2ae: {  	(xrf2) =	vadd.scan.msk.f32 $0xffff, v10;
	_ =	sdelay $0x2  }
0x2af: {  	s3 =	sadd.s32 $0x1, s20  }
0x2b0: {  	v9 =	vmov s3  }
0x2b1: {  	v10 =	vmov s20;
	s20 =	sadd.s32 $0x2, s20  }
0x2b2: {  	v11 =	vmov s20;
	_ =	sdelay $0x1  }
0x2b3: {  	v63, _, _ =	vpop (xrf2)  }
0x2b4: {  	[tilespmem:v9+s25+$0x0] =	vst.idx.msk vm0, v63;
	v9, _, _ =	vpop (xrf2)  }
0x2b5: {  	[tilespmem:v10+s25+$0x0] =	vst.idx.msk vm0, v9;
	v9, _, _ =	vpop (xrf2)  }
0x2b6: {  	[tilespmem:v11+s25+$0x0] =	vst.idx.msk vm0, v9  }
.LBB2_33:
0x2b7: {  	p0 =	sge.s32 s22, s1  }
.Ltmp31:
0x2b8: {  	_ = 	snop;
	(pc) =	sbr.rel @p0 .LBB2_36-.Ltmp31, $1  }
0x2b9: {  	_ =	sdelay $0x3  }
0x2ba: {  	s3 =	ssub.s32 s19, s21  }
0x2bb: {  	s5 =	sshll.u32 s1, $0x9;
	s17 =	sshll.u32 s3, $0x9  }
0x2bc: {  	s5 =	ssub.s32 s5, s17  }
0x2bd: {  	s5 =	sshra.s32 s5, $0x2  }
0x2be: {  	s3 =	ssub.s32 $0x0, s3;
	s17 =	sadd.s32 $0xFFFE8C00, s5  }
.LBB2_35:
0x2bf: {  	v9 =	vld [tilespmem:s17+$0x0]  }
0x2c0: {  	v10 =	vld [tilespmem:s17+$0x10]  }
0x2c1: {  	v11 =	vld [tilespmem:s17+$0x20]  }
0x2c2: {  	v12 =	vld [tilespmem:s17+$0x30]  }
0x2c3: {  	v13 =	vld [tilespmem:s17+$0x40]  }
0x2c4: {  	v14 =	vld [tilespmem:s17+$0x50]  }
0x2c5: {  	v15 =	vld [tilespmem:s17+$0x60]  }
0x2c6: {  	v16 =	vld [tilespmem:s17+$0x70];
	_ =	sdelay $0x1  }
0x2c7: {  	v9 =	vmul.f32 v9, v1;
	v10 =	vmul.f32 v10, v2  }
0x2c8: {  	v11 =	vmul.f32 v11, v3;
	v12 =	vmul.f32 v12, v4  }
0x2c9: {  	v13 =	vmul.f32 v13, v5;
	v14 =	vmul.f32 v14, v6  }
0x2ca: {  	v15 =	vmul.f32 v15, v7;
	v16 =	vmul.f32 v16, v8  }
0x2cb: {  	v9 =	vadd.f32 v13, v9;
	v10 =	vadd.f32 v14, v10  }
0x2cc: {  	v11 =	vadd.f32 v15, v11;
	v12 =	vadd.f32 v16, v12;
	_ =	sdelay $0x1  }
0x2cd: {  	v9 =	vadd.f32 v10, v9;
	v10 =	vadd.f32 v12, v11;
	_ =	sdelay $0x1  }
0x2ce: {  	v9 =	vadd.f32 v10, v9;
	_ =	sdelay $0x1  }
0x2cf: {  	(xrf2) =	vadd.scan.msk.f32 $0xffff, v9;
	_ =	sdelay $0x4  }
0x2d0: {  	s5 =	sadd.s32 s3, s1;
	s3 =	sadd.s32 $0x1, s3  }
0x2d1: {  	p0 =	seq.s32 s3, $0x0;
	v9 =	vmov s5  }
.Ltmp32:
0x2d2: {  	_ = 	snop;
	(pc) =	sbr.rel @!p0 .LBB2_35-.Ltmp32, $3  }
0x2d3: {  	_ =	sdelay $0x1  }
0x2d4: {  	v10, _, _ =	vpop (xrf2)  }
0x2d5: {  	s17 =	sadd.s32 $0x80, s17;
	[tilespmem:v9+s25+$0x0] =	vst.idx.msk vm0, v10  }
.Ltmp33:
0x2d6: {  	_ = 	snop;
	(pc) =	sbr.rel .LBB2_36-.Ltmp33, $1  }
0x2d7: {  	_ =	sdelay $0x3  }
.LBB2_38:
0x2d8: {  	_ =	sfence.sel $0x180000  }
0x2d9: {  	[bflag:$0x0] =	sbarrier.arrive $0xFFFF  }
0x2da: {  	_ =	strace $0x90000047  }
0x2db: {  	s0 =	stileid.u32;
	[bflag:$0x2] =	sbarrier.arrive $0xFFFF  }
0x2dc: {  	p0 =	sne.s32 s0, $0x0;
	s0 =	rddreg [dreg:$0x3]  }
0x2dd: {  	s0 =	sadd.s32 @!p0 $0x100000, s0  }
0x2de: {  	[sflag:s0] =	ssyncadd.tile.s32 @!p0 $0x1;
	_ =	shalt  }
.Lfunc_end2:
_tile_overlayer_lowered:
.L_overlay_start_2:
0x2df: {  	(tag) =	ssettag $0x2  }
0x2e0: {  	s0 =	rddreg [dreg:$0x0];
	s2 =	stileid.u32  }
0x2e1: {  	s1 =	rddreg [dreg:$0x1];
	p0 =	sne.s32 s2, $0x0  }
0x2e2: {  	s3 =	rddreg [dreg:$0x2];
	[bflag:$0x3] =	sbarrier.arrive $0xFFFF;
	s2 =	simm.s32 @!p0 $0x1C07  }
0x2e3: {  	[timem:s3], [sflag:s2] =	dma.local @!p0 [hbm:s0], s1  }
0x2e4: {  	s0 =	simm.s32 @!p0 $0x7  }
0x2e5: {  	_ =	swait.ge @!p0 [sflag:s0], s1  }
0x2e6: {  	s1 =	ssub.s32 @!p0 $0x0, s1;
	[sflag:s0] =	ssyncset.done @!p0 $0x0  }
0x2e7: {  	[sflag:s0] =	ssyncadd.s32 @!p0 s1  }
0x2e8: {  	[bflag:$0x3] =	sbarrier.arrive $0xFFFF  }
0x2e9: {  	_ =	shalt  }

</sc_bundles>
